<compile_context>
chip_gen: v7x
topology: tpu7x:2x2x1
jax: 0.10.2.dev20260603
libtpu: 0.0.44.dev20260713+nightly
codegen_flags: <defaults>
</compile_context>

<pallas_src>
import functools

import jax
import jax.numpy as jnp
from jax import lax
from jax.experimental import pallas as pl
from jax.experimental.pallas import tpu as pltpu
from jax.experimental.pallas import tpu_sc as plsc

NC = 2
NS = 16
NW = NC * NS
L = 16


@functools.lru_cache(maxsize=None)
def _gather_half_kernel(W, V, B, start, wh):
    assert (2 * wh) % NW == 0 or NW % (2 * wh) == 0
    assert B % L == 0

    mesh = plsc.VectorSubcoreMesh(core_axis_name="c", subcore_axis_name="s")

    @functools.partial(
        pl.kernel,
        mesh=mesh,
        out_type=(
            jax.ShapeDtypeStruct((wh, B), jnp.float32),
            jax.ShapeDtypeStruct((wh, B), jnp.float32),
        ),
        scratch_types=[
            pltpu.VMEM((V,), jnp.float32),
            pltpu.VMEM((B,), jnp.int32),
            pltpu.VMEM((B // 2,), jnp.float32),
        ],
        compiler_params=pltpu.CompilerParams(
            use_tc_tiling_on_sc=True, needs_layout_passes=False
        ),
    )
    def k(scales_t, shifts_t, lab_hbm, gs_out, gh_out, row_v, idx_v, out_v):
        wid = lax.axis_index("s") * NC + lax.axis_index("c")
        H = B // 2
        UNROLL = 8
        pltpu.sync_copy(lab_hbm, idx_v)

        def do_row(src, dst, r):
            w = start + r
            pltpu.sync_copy(src.at[w], row_v)
            for half in range(2):

                def body(i, carry, half=half):
                    for u in range(UNROLL):
                        j = i * UNROLL + u
                        out_v[pl.ds(j * L, L)] = plsc.load_gather(
                            row_v, [idx_v[pl.ds(half * H + j * L, L)]]
                        )
                    return carry

                lax.fori_loop(0, H // (L * UNROLL), body, 0)
                pltpu.sync_copy(out_v, dst.at[r, pl.ds(half * H, H)])

        if wh == NW:
            do_row(scales_t, gs_out, wid)
            do_row(shifts_t, gh_out, wid)
        else:
            is_shift = wid >= wh
            r = wid - jnp.where(is_shift, wh, 0)

            @pl.when(jnp.logical_not(is_shift))
            def _():
                do_row(scales_t, gs_out, r)

            @pl.when(is_shift)
            def _():
                do_row(shifts_t, gh_out, r)

    return k


@functools.lru_cache(maxsize=None)
def _film_tc_kernel(S, W, B, hidx, wh, first):
    BLK = 4096
    assert B % BLK == 0

    def body(*refs):
        if first:
            x_ref, gs_ref, gh_ref, o_ref = refs
        else:
            _, x_ref, gs_ref, gh_ref, o_ref = refs
        o_ref[...] = x_ref[...] * gs_ref[...][None] + gh_ref[...][None]

    xw_spec = pl.BlockSpec((S, wh, BLK), lambda i: (0, hidx, i))
    g_spec = pl.BlockSpec((wh, BLK), lambda i: (0, i))
    in_specs = [xw_spec, g_spec, g_spec]
    kwargs = {}
    if not first:
        in_specs = [pl.BlockSpec(memory_space=pltpu.MemorySpace.HBM)] + in_specs
        kwargs["input_output_aliases"] = {0: 0}

    return pl.pallas_call(
        body,
        grid=(B // BLK,),
        in_specs=in_specs,
        out_specs=pl.BlockSpec((S, wh, BLK), lambda i: (0, hidx, i)),
        out_shape=jax.ShapeDtypeStruct((S, W, B), jnp.float32),
        **kwargs,
    )


def kernel(x, task_labels, num_samples, scales, shifts):
    S, B, W = x.shape
    V = scales.shape[0]
    NSPLIT = 2
    wh = W // NSPLIT
    x_t = jnp.transpose(x, (0, 2, 1))
    scales_t = scales.T
    shifts_t = shifts.T
    labels = task_labels.astype(jnp.int32)
    gathered = [
        _gather_half_kernel(W, V, B, h * wh, wh)(scales_t, shifts_t, labels)
        for h in range(NSPLIT)
    ]
    out = _film_tc_kernel(S, W, B, 0, wh, True)(x_t, *gathered[0])
    for h in range(1, NSPLIT):
        out = _film_tc_kernel(S, W, B, h, wh, False)(out, x_t, *gathered[h])
    return jnp.transpose(out, (0, 2, 1))

# --- scband reference (transcript-rebuilt; emitter-appended) ---
"""Pipeline reference for scband-point-fi-lmlayer-40450001994307 (READ-ONLY COPY).

The authoritative reference and input builder live on the scoring server;
editing this copy changes nothing except your own understanding.
"""

import jax, jax.numpy as jnp
import numpy as np

TASKS = 100000
WIDTH = 64
BATCH = 16384
NUM_SAMPLES = 4


def setup_inputs(seed: int = 0) -> dict:
    key = jax.random.key(seed)
    k1, k2 = jax.random.split(key)
    x = jax.random.normal(k1, (NUM_SAMPLES, BATCH, WIDTH), dtype=jnp.float32)
    task_labels = jax.random.randint(k2, (BATCH,), 0, TASKS, dtype=jnp.int64 if jax.config.jax_enable_x64 else jnp.int32)
    # learned parameters, initialized as in the torch module
    scales = jnp.ones((TASKS, WIDTH), dtype=jnp.float32)
    shifts = jnp.zeros((TASKS, WIDTH), dtype=jnp.float32)
    return {"x": x, "task_labels": task_labels, "num_samples": NUM_SAMPLES, "scales": scales, "shifts": shifts}


def reference(x, task_labels, num_samples, scales, shifts):
    # F.embedding -> jnp.take along axis 0
    scale_values = jnp.take(scales, task_labels, axis=0)
    shift_values = jnp.take(shifts, task_labels, axis=0)
    width = scales.shape[1]
    # non-conv branch: view(1, -1, width)
    scale_values = scale_values.reshape(1, -1, width)
    shift_values = shift_values.reshape(1, -1, width)
    return x * scale_values + shift_values

if __name__ == "__main__":
    import jax
    _d = setup_inputs()
    print(jax.jit(kernel)(*tuple(_d.values())))

</pallas_src>

<mosaic_0001>
#map = affine_map<(d0, d1) -> (0, 0)>
#map1 = affine_map<(d0, d1) -> (0)>
module attributes {stable_mosaic.version = 14 : i64} {
  func.func @k(%arg0: i32, %arg1: i32, %arg2: memref<64x100000xf32, #tpu.memory_space<hbm>>, %arg3: memref<64x100000xf32, #tpu.memory_space<hbm>>, %arg4: memref<16384xi32, #tpu.memory_space<hbm>>, %arg5: memref<32x16384xf32, #tpu.memory_space<hbm>>, %arg6: memref<32x16384xf32, #tpu.memory_space<hbm>>, %arg7: memref<100000xf32, #tpu.memory_space<vmem>>, %arg8: memref<16384xi32, #tpu.memory_space<vmem>>, %arg9: memref<8192xf32, #tpu.memory_space<vmem>>) attributes {dimension_semantics = [#tpu.dimension_semantics<core_parallel>, #tpu.dimension_semantics<subcore_parallel>], iteration_bounds = array<i64: 2, 16>, scalar_prefetch = 0 : i64, scratch_operands = 3 : i64, tpu.core_type = #tpu.core_type<sc_vector_subcore>, window_params = [{transform_indices = #map}, {transform_indices = #map}, {transform_indices = #map1}, {transform_indices = #map}, {transform_indices = #map}]} {
    %mul3A = arith.constant 2 : i32
    %mul3A_0 = arith.muli %arg1, %mul3A : i32
    %add3A = arith.addi %mul3A_0, %arg0 : i32
    "tpu.region"() ({
      %run_scoped3A = tpu.sem_alloc : memref<!tpu.dma_semaphore, #tpu.memory_space<semaphore_mem>>
      tpu.enqueue_dma source(%arg4 : memref<16384xi32, #tpu.memory_space<hbm>>) target(%arg8 : memref<16384xi32, #tpu.memory_space<vmem>>) target_semaphore(%run_scoped3A : memref<!tpu.dma_semaphore, #tpu.memory_space<semaphore_mem>>)
      tpu.wait_dma2 semaphore(%run_scoped3A : memref<!tpu.dma_semaphore, #tpu.memory_space<semaphore_mem>>) src(%arg4 : memref<16384xi32, #tpu.memory_space<hbm>>) dst(%arg8 : memref<16384xi32, #tpu.memory_space<vmem>>)
      tpu.yield
    }) : () -> ()
    %add3A_1 = arith.constant 32 : i32
    %add3A_2 = arith.addi %add3A_1, %add3A : i32
    "tpu.region"() ({
      %run_scoped3A = tpu.sem_alloc : memref<!tpu.dma_semaphore, #tpu.memory_space<semaphore_mem>>
      %dma_start3A = arith.constant 0 : i32
      %dma_start3A_28 = tpu.memref_slice %arg2[%add3A_2, %dma_start3A] : memref<64x100000xf32, #tpu.memory_space<hbm>> -> memref<1x100000xf32, #tpu.memory_space<hbm>>
      %dma_start3A_29 = tpu.memref_squeeze %dma_start3A_28 : memref<1x100000xf32, #tpu.memory_space<hbm>> -> memref<100000xf32, #tpu.memory_space<hbm>>
      %dma_start3A_30 = arith.constant 0 : i32
      %dma_start3A_31 = tpu.memref_slice %arg2[%add3A_2, %dma_start3A_30] : memref<64x100000xf32, #tpu.memory_space<hbm>> -> memref<1x100000xf32, #tpu.memory_space<hbm>>
      %dma_start3A_32 = tpu.memref_squeeze %dma_start3A_31 : memref<1x100000xf32, #tpu.memory_space<hbm>> -> memref<100000xf32, #tpu.memory_space<hbm>>
      tpu.enqueue_dma source(%dma_start3A_32 : memref<100000xf32, #tpu.memory_space<hbm>>) target(%arg7 : memref<100000xf32, #tpu.memory_space<vmem>>) target_semaphore(%run_scoped3A : memref<!tpu.dma_semaphore, #tpu.memory_space<semaphore_mem>>)
      %dma_wait3A = arith.constant 0 : i32
      %dma_wait3A_33 = tpu.memref_slice %arg2[%add3A_2, %dma_wait3A] : memref<64x100000xf32, #tpu.memory_space<hbm>> -> memref<1x100000xf32, #tpu.memory_space<hbm>>
      %dma_wait3A_34 = tpu.memref_squeeze %dma_wait3A_33 : memref<1x100000xf32, #tpu.memory_space<hbm>> -> memref<100000xf32, #tpu.memory_space<hbm>>
      %dma_wait3A_35 = arith.constant 0 : i32
      %dma_wait3A_36 = tpu.memref_slice %arg2[%add3A_2, %dma_wait3A_35] : memref<64x100000xf32, #tpu.memory_space<hbm>> -> memref<1x100000xf32, #tpu.memory_space<hbm>>
      %dma_wait3A_37 = tpu.memref_squeeze %dma_wait3A_36 : memref<1x100000xf32, #tpu.memory_space<hbm>> -> memref<100000xf32, #tpu.memory_space<hbm>>
      tpu.wait_dma2 semaphore(%run_scoped3A : memref<!tpu.dma_semaphore, #tpu.memory_space<semaphore_mem>>) src(%dma_wait3A_37 : memref<100000xf32, #tpu.memory_space<hbm>>) dst(%arg7 : memref<100000xf32, #tpu.memory_space<vmem>>)
      tpu.yield
    }) : () -> ()
    %scan3A = arith.constant 0 : i32
    %scan3A_3 = arith.constant 0 : i32
    %scan3A_4 = arith.constant 64 : i32
    %scan3A_5 = arith.addi %scan3A_3, %scan3A_4 : i32
    %scan3A_6 = arith.constant 1 : i32
    scf.for %scan3A_28 = %scan3A_3 to %scan3A_5 step %scan3A_6  : i32 {
      %mul3A_29 = arith.constant 8 : i32
      %mul3A_30 = arith.muli %scan3A_28, %mul3A_29 : i32
      %add3A_31 = arith.constant 0 : i32
      %add3A_32 = arith.addi %mul3A_30, %add3A_31 : i32
      %mul3A_33 = arith.constant 16 : i32
      %mul3A_34 = arith.muli %add3A_32, %mul3A_33 : i32
      %add3A_35 = arith.constant 0 : i32
      %add3A_36 = arith.addi %add3A_35, %mul3A_34 : i32
      %get3A = arith.index_cast %add3A_36 : i32 to index
      %get3A_37 = tpu.vector_load %arg8[%get3A] {strides = array<i32>} : memref<16384xi32, #tpu.memory_space<vmem>>, vector<16xi32>,
      %gather3A = tpu.vector_load_idx %arg7[%get3A_37] : memref<100000xf32, #tpu.memory_space<vmem>>[vector<16xi32>], vector<16xf32>,
      %mul3A_38 = arith.constant 16 : i32
      %mul3A_39 = arith.muli %add3A_32, %mul3A_38 : i32
      %swap3A = arith.index_cast %mul3A_39 : i32 to index
      %swap3A_40 = tpu.vector_load %arg9[%swap3A] {strides = array<i32>} : memref<8192xf32, #tpu.memory_space<vmem>>, vector<16xf32>,
      tpu.vector_store %arg9[%swap3A], %gather3A {strides = array<i32>} : memref<8192xf32, #tpu.memory_space<vmem>>, vector<16xf32>,
      %mul3A_41 = arith.constant 8 : i32
      %mul3A_42 = arith.muli %scan3A_28, %mul3A_41 : i32
      %add3A_43 = arith.constant 1 : i32
      %add3A_44 = arith.addi %mul3A_42, %add3A_43 : i32
      %mul3A_45 = arith.constant 16 : i32
      %mul3A_46 = arith.muli %add3A_44, %mul3A_45 : i32
      %add3A_47 = arith.constant 0 : i32
      %add3A_48 = arith.addi %add3A_47, %mul3A_46 : i32
      %get3A_49 = arith.index_cast %add3A_48 : i32 to index
      %get3A_50 = tpu.vector_load %arg8[%get3A_49] {strides = array<i32>} : memref<16384xi32, #tpu.memory_space<vmem>>, vector<16xi32>,
      %gather3A_51 = tpu.vector_load_idx %arg7[%get3A_50] : memref<100000xf32, #tpu.memory_space<vmem>>[vector<16xi32>], vector<16xf32>,
      %mul3A_52 = arith.constant 16 : i32
      %mul3A_53 = arith.muli %add3A_44, %mul3A_52 : i32
      %swap3A_54 = arith.index_cast %mul3A_53 : i32 to index
      %swap3A_55 = tpu.vector_load %arg9[%swap3A_54] {strides = array<i32>} : memref<8192xf32, #tpu.memory_space<vmem>>, vector<16xf32>,
      tpu.vector_store %arg9[%swap3A_54], %gather3A_51 {strides = array<i32>} : memref<8192xf32, #tpu.memory_space<vmem>>, vector<16xf32>,
      %mul3A_56 = arith.constant 8 : i32
      %mul3A_57 = arith.muli %scan3A_28, %mul3A_56 : i32
      %add3A_58 = arith.constant 2 : i32
      %add3A_59 = arith.addi %mul3A_57, %add3A_58 : i32
      %mul3A_60 = arith.constant 16 : i32
      %mul3A_61 = arith.muli %add3A_59, %mul3A_60 : i32
      %add3A_62 = arith.constant 0 : i32
      %add3A_63 = arith.addi %add3A_62, %mul3A_61 : i32
      %get3A_64 = arith.index_cast %add3A_63 : i32 to index
      %get3A_65 = tpu.vector_load %arg8[%get3A_64] {strides = array<i32>} : memref<16384xi32, #tpu.memory_space<vmem>>, vector<16xi32>,
      %gather3A_66 = tpu.vector_load_idx %arg7[%get3A_65] : memref<100000xf32, #tpu.memory_space<vmem>>[vector<16xi32>], vector<16xf32>,
      %mul3A_67 = arith.constant 16 : i32
      %mul3A_68 = arith.muli %add3A_59, %mul3A_67 : i32
      %swap3A_69 = arith.index_cast %mul3A_68 : i32 to index
      %swap3A_70 = tpu.vector_load %arg9[%swap3A_69] {strides = array<i32>} : memref<8192xf32, #tpu.memory_space<vmem>>, vector<16xf32>,
      tpu.vector_store %arg9[%swap3A_69], %gather3A_66 {strides = array<i32>} : memref<8192xf32, #tpu.memory_space<vmem>>, vector<16xf32>,
      %mul3A_71 = arith.constant 8 : i32
      %mul3A_72 = arith.muli %scan3A_28, %mul3A_71 : i32
      %add3A_73 = arith.constant 3 : i32
      %add3A_74 = arith.addi %mul3A_72, %add3A_73 : i32
      %mul3A_75 = arith.constant 16 : i32
      %mul3A_76 = arith.muli %add3A_74, %mul3A_75 : i32
      %add3A_77 = arith.constant 0 : i32
      %add3A_78 = arith.addi %add3A_77, %mul3A_76 : i32
      %get3A_79 = arith.index_cast %add3A_78 : i32 to index
      %get3A_80 = tpu.vector_load %arg8[%get3A_79] {strides = array<i32>} : memref<16384xi32, #tpu.memory_space<vmem>>, vector<16xi32>,
      %gather3A_81 = tpu.vector_load_idx %arg7[%get3A_80] : memref<100000xf32, #tpu.memory_space<vmem>>[vector<16xi32>], vector<16xf32>,
      %mul3A_82 = arith.constant 16 : i32
      %mul3A_83 = arith.muli %add3A_74, %mul3A_82 : i32
      %swap3A_84 = arith.index_cast %mul3A_83 : i32 to index
      %swap3A_85 = tpu.vector_load %arg9[%swap3A_84] {strides = array<i32>} : memref<8192xf32, #tpu.memory_space<vmem>>, vector<16xf32>,
      tpu.vector_store %arg9[%swap3A_84], %gather3A_81 {strides = array<i32>} : memref<8192xf32, #tpu.memory_space<vmem>>, vector<16xf32>,
      %mul3A_86 = arith.constant 8 : i32
      %mul3A_87 = arith.muli %scan3A_28, %mul3A_86 : i32
      %add3A_88 = arith.constant 4 : i32
      %add3A_89 = arith.addi %mul3A_87, %add3A_88 : i32
      %mul3A_90 = arith.constant 16 : i32
      %mul3A_91 = arith.muli %add3A_89, %mul3A_90 : i32
      %add3A_92 = arith.constant 0 : i32
      %add3A_93 = arith.addi %add3A_92, %mul3A_91 : i32
      %get3A_94 = arith.index_cast %add3A_93 : i32 to index
      %get3A_95 = tpu.vector_load %arg8[%get3A_94] {strides = array<i32>} : memref<16384xi32, #tpu.memory_space<vmem>>, vector<16xi32>,
      %gather3A_96 = tpu.vector_load_idx %arg7[%get3A_95] : memref<100000xf32, #tpu.memory_space<vmem>>[vector<16xi32>], vector<16xf32>,
      %mul3A_97 = arith.constant 16 : i32
      %mul3A_98 = arith.muli %add3A_89, %mul3A_97 : i32
      %swap3A_99 = arith.index_cast %mul3A_98 : i32 to index
      %swap3A_100 = tpu.vector_load %arg9[%swap3A_99] {strides = array<i32>} : memref<8192xf32, #tpu.memory_space<vmem>>, vector<16xf32>,
      tpu.vector_store %arg9[%swap3A_99], %gather3A_96 {strides = array<i32>} : memref<8192xf32, #tpu.memory_space<vmem>>, vector<16xf32>,
      %mul3A_101 = arith.constant 8 : i32
      %mul3A_102 = arith.muli %scan3A_28, %mul3A_101 : i32
      %add3A_103 = arith.constant 5 : i32
      %add3A_104 = arith.addi %mul3A_102, %add3A_103 : i32
      %mul3A_105 = arith.constant 16 : i32
      %mul3A_106 = arith.muli %add3A_104, %mul3A_105 : i32
      %add3A_107 = arith.constant 0 : i32
      %add3A_108 = arith.addi %add3A_107, %mul3A_106 : i32
      %get3A_109 = arith.index_cast %add3A_108 : i32 to index
      %get3A_110 = tpu.vector_load %arg8[%get3A_109] {strides = array<i32>} : memref<16384xi32, #tpu.memory_space<vmem>>, vector<16xi32>,
      %gather3A_111 = tpu.vector_load_idx %arg7[%get3A_110] : memref<100000xf32, #tpu.memory_space<vmem>>[vector<16xi32>], vector<16xf32>,
      %mul3A_112 = arith.constant 16 : i32
      %mul3A_113 = arith.muli %add3A_104, %mul3A_112 : i32
      %swap3A_114 = arith.index_cast %mul3A_113 : i32 to index
      %swap3A_115 = tpu.vector_load %arg9[%swap3A_114] {strides = array<i32>} : memref<8192xf32, #tpu.memory_space<vmem>>, vector<16xf32>,
      tpu.vector_store %arg9[%swap3A_114], %gather3A_111 {strides = array<i32>} : memref<8192xf32, #tpu.memory_space<vmem>>, vector<16xf32>,
      %mul3A_116 = arith.constant 8 : i32
      %mul3A_117 = arith.muli %scan3A_28, %mul3A_116 : i32
      %add3A_118 = arith.constant 6 : i32
      %add3A_119 = arith.addi %mul3A_117, %add3A_118 : i32
      %mul3A_120 = arith.constant 16 : i32
      %mul3A_121 = arith.muli %add3A_119, %mul3A_120 : i32
      %add3A_122 = arith.constant 0 : i32
      %add3A_123 = arith.addi %add3A_122, %mul3A_121 : i32
      %get3A_124 = arith.index_cast %add3A_123 : i32 to index
      %get3A_125 = tpu.vector_load %arg8[%get3A_124] {strides = array<i32>} : memref<16384xi32, #tpu.memory_space<vmem>>, vector<16xi32>,
      %gather3A_126 = tpu.vector_load_idx %arg7[%get3A_125] : memref<100000xf32, #tpu.memory_space<vmem>>[vector<16xi32>], vector<16xf32>,
      %mul3A_127 = arith.constant 16 : i32
      %mul3A_128 = arith.muli %add3A_119, %mul3A_127 : i32
      %swap3A_129 = arith.index_cast %mul3A_128 : i32 to index
      %swap3A_130 = tpu.vector_load %arg9[%swap3A_129] {strides = array<i32>} : memref<8192xf32, #tpu.memory_space<vmem>>, vector<16xf32>,
      tpu.vector_store %arg9[%swap3A_129], %gather3A_126 {strides = array<i32>} : memref<8192xf32, #tpu.memory_space<vmem>>, vector<16xf32>,
      %mul3A_131 = arith.constant 8 : i32
      %mul3A_132 = arith.muli %scan3A_28, %mul3A_131 : i32
      %add3A_133 = arith.constant 7 : i32
      %add3A_134 = arith.addi %mul3A_132, %add3A_133 : i32
      %mul3A_135 = arith.constant 16 : i32
      %mul3A_136 = arith.muli %add3A_134, %mul3A_135 : i32
      %add3A_137 = arith.constant 0 : i32
      %add3A_138 = arith.addi %add3A_137, %mul3A_136 : i32
      %get3A_139 = arith.index_cast %add3A_138 : i32 to index
      %get3A_140 = tpu.vector_load %arg8[%get3A_139] {strides = array<i32>} : memref<16384xi32, #tpu.memory_space<vmem>>, vector<16xi32>,
      %gather3A_141 = tpu.vector_load_idx %arg7[%get3A_140] : memref<100000xf32, #tpu.memory_space<vmem>>[vector<16xi32>], vector<16xf32>,
      %mul3A_142 = arith.constant 16 : i32
      %mul3A_143 = arith.muli %add3A_134, %mul3A_142 : i32
      %swap3A_144 = arith.index_cast %mul3A_143 : i32 to index
      %swap3A_145 = tpu.vector_load %arg9[%swap3A_144] {strides = array<i32>} : memref<8192xf32, #tpu.memory_space<vmem>>, vector<16xf32>,
      tpu.vector_store %arg9[%swap3A_144], %gather3A_141 {strides = array<i32>} : memref<8192xf32, #tpu.memory_space<vmem>>, vector<16xf32>,
    }
    %scan3A_7 = arith.constant 64 : i32
    "tpu.region"() ({
      %run_scoped3A = tpu.sem_alloc : memref<!tpu.dma_semaphore, #tpu.memory_space<semaphore_mem>>
      %dma_start3A = arith.constant 0 : i32
      %dma_start3A_28 = tpu.memref_slice %arg5[%add3A, %dma_start3A] : memref<32x16384xf32, #tpu.memory_space<hbm>> -> memref<1x8192xf32, #tpu.memory_space<hbm>>
      %dma_start3A_29 = tpu.memref_squeeze %dma_start3A_28 : memref<1x8192xf32, #tpu.memory_space<hbm>> -> memref<8192xf32, #tpu.memory_space<hbm>>
      %dma_start3A_30 = arith.constant 0 : i32
      %dma_start3A_31 = tpu.memref_slice %arg5[%add3A, %dma_start3A_30] : memref<32x16384xf32, #tpu.memory_space<hbm>> -> memref<1x8192xf32, #tpu.memory_space<hbm>>
      %dma_start3A_32 = tpu.memref_squeeze %dma_start3A_31 : memref<1x8192xf32, #tpu.memory_space<hbm>> -> memref<8192xf32, #tpu.memory_space<hbm>>
      tpu.enqueue_dma source(%arg9 : memref<8192xf32, #tpu.memory_space<vmem>>) target(%dma_start3A_32 : memref<8192xf32, #tpu.memory_space<hbm>>) target_semaphore(%run_scoped3A : memref<!tpu.dma_semaphore, #tpu.memory_space<semaphore_mem>>)
      %dma_wait3A = arith.constant 0 : i32
      %dma_wait3A_33 = tpu.memref_slice %arg5[%add3A, %dma_wait3A] : memref<32x16384xf32, #tpu.memory_space<hbm>> -> memref<1x8192xf32, #tpu.memory_space<hbm>>
      %dma_wait3A_34 = tpu.memref_squeeze %dma_wait3A_33 : memref<1x8192xf32, #tpu.memory_space<hbm>> -> memref<8192xf32, #tpu.memory_space<hbm>>
      %dma_wait3A_35 = arith.constant 0 : i32
      %dma_wait3A_36 = tpu.memref_slice %arg5[%add3A, %dma_wait3A_35] : memref<32x16384xf32, #tpu.memory_space<hbm>> -> memref<1x8192xf32, #tpu.memory_space<hbm>>
      %dma_wait3A_37 = tpu.memref_squeeze %dma_wait3A_36 : memref<1x8192xf32, #tpu.memory_space<hbm>> -> memref<8192xf32, #tpu.memory_space<hbm>>
      tpu.wait_dma2 semaphore(%run_scoped3A : memref<!tpu.dma_semaphore, #tpu.memory_space<semaphore_mem>>) src(%arg9 : memref<8192xf32, #tpu.memory_space<vmem>>) dst(%dma_wait3A_37 : memref<8192xf32, #tpu.memory_space<hbm>>)
      tpu.yield
    }) : () -> ()
    %scan3A_8 = arith.constant 0 : i32
    %scan3A_9 = arith.constant 0 : i32
    %scan3A_10 = arith.constant 64 : i32
    %scan3A_11 = arith.addi %scan3A_9, %scan3A_10 : i32
    %scan3A_12 = arith.constant 1 : i32
    scf.for %scan3A_28 = %scan3A_9 to %scan3A_11 step %scan3A_12  : i32 {
      %mul3A_29 = arith.constant 8 : i32
      %mul3A_30 = arith.muli %scan3A_28, %mul3A_29 : i32
      %add3A_31 = arith.constant 0 : i32
      %add3A_32 = arith.addi %mul3A_30, %add3A_31 : i32
      %mul3A_33 = arith.constant 16 : i32
      %mul3A_34 = arith.muli %add3A_32, %mul3A_33 : i32
      %add3A_35 = arith.constant 8192 : i32
      %add3A_36 = arith.addi %add3A_35, %mul3A_34 : i32
      %get3A = arith.index_cast %add3A_36 : i32 to index
      %get3A_37 = tpu.vector_load %arg8[%get3A] {strides = array<i32>} : memref<16384xi32, #tpu.memory_space<vmem>>, vector<16xi32>,
      %gather3A = tpu.vector_load_idx %arg7[%get3A_37] : memref<100000xf32, #tpu.memory_space<vmem>>[vector<16xi32>], vector<16xf32>,
      %mul3A_38 = arith.constant 16 : i32
      %mul3A_39 = arith.muli %add3A_32, %mul3A_38 : i32
      %swap3A = arith.index_cast %mul3A_39 : i32 to index
      %swap3A_40 = tpu.vector_load %arg9[%swap3A] {strides = array<i32>} : memref<8192xf32, #tpu.memory_space<vmem>>, vector<16xf32>,
      tpu.vector_store %arg9[%swap3A], %gather3A {strides = array<i32>} : memref<8192xf32, #tpu.memory_space<vmem>>, vector<16xf32>,
      %mul3A_41 = arith.constant 8 : i32
      %mul3A_42 = arith.muli %scan3A_28, %mul3A_41 : i32
      %add3A_43 = arith.constant 1 : i32
      %add3A_44 = arith.addi %mul3A_42, %add3A_43 : i32
      %mul3A_45 = arith.constant 16 : i32
      %mul3A_46 = arith.muli %add3A_44, %mul3A_45 : i32
      %add3A_47 = arith.constant 8192 : i32
      %add3A_48 = arith.addi %add3A_47, %mul3A_46 : i32
      %get3A_49 = arith.index_cast %add3A_48 : i32 to index
      %get3A_50 = tpu.vector_load %arg8[%get3A_49] {strides = array<i32>} : memref<16384xi32, #tpu.memory_space<vmem>>, vector<16xi32>,
      %gather3A_51 = tpu.vector_load_idx %arg7[%get3A_50] : memref<100000xf32, #tpu.memory_space<vmem>>[vector<16xi32>], vector<16xf32>,
      %mul3A_52 = arith.constant 16 : i32
      %mul3A_53 = arith.muli %add3A_44, %mul3A_52 : i32
      %swap3A_54 = arith.index_cast %mul3A_53 : i32 to index
      %swap3A_55 = tpu.vector_load %arg9[%swap3A_54] {strides = array<i32>} : memref<8192xf32, #tpu.memory_space<vmem>>, vector<16xf32>,
      tpu.vector_store %arg9[%swap3A_54], %gather3A_51 {strides = array<i32>} : memref<8192xf32, #tpu.memory_space<vmem>>, vector<16xf32>,
      %mul3A_56 = arith.constant 8 : i32
      %mul3A_57 = arith.muli %scan3A_28, %mul3A_56 : i32
      %add3A_58 = arith.constant 2 : i32
      %add3A_59 = arith.addi %mul3A_57, %add3A_58 : i32
      %mul3A_60 = arith.constant 16 : i32
      %mul3A_61 = arith.muli %add3A_59, %mul3A_60 : i32
      %add3A_62 = arith.constant 8192 : i32
      %add3A_63 = arith.addi %add3A_62, %mul3A_61 : i32
      %get3A_64 = arith.index_cast %add3A_63 : i32 to index
      %get3A_65 = tpu.vector_load %arg8[%get3A_64] {strides = array<i32>} : memref<16384xi32, #tpu.memory_space<vmem>>, vector<16xi32>,
      %gather3A_66 = tpu.vector_load_idx %arg7[%get3A_65] : memref<100000xf32, #tpu.memory_space<vmem>>[vector<16xi32>], vector<16xf32>,
      %mul3A_67 = arith.constant 16 : i32
      %mul3A_68 = arith.muli %add3A_59, %mul3A_67 : i32
      %swap3A_69 = arith.index_cast %mul3A_68 : i32 to index
      %swap3A_70 = tpu.vector_load %arg9[%swap3A_69] {strides = array<i32>} : memref<8192xf32, #tpu.memory_space<vmem>>, vector<16xf32>,
      tpu.vector_store %arg9[%swap3A_69], %gather3A_66 {strides = array<i32>} : memref<8192xf32, #tpu.memory_space<vmem>>, vector<16xf32>,
      %mul3A_71 = arith.constant 8 : i32
      %mul3A_72 = arith.muli %scan3A_28, %mul3A_71 : i32
      %add3A_73 = arith.constant 3 : i32
      %add3A_74 = arith.addi %mul3A_72, %add3A_73 : i32
      %mul3A_75 = arith.constant 16 : i32
      %mul3A_76 = arith.muli %add3A_74, %mul3A_75 : i32
      %add3A_77 = arith.constant 8192 : i32
      %add3A_78 = arith.addi %add3A_77, %mul3A_76 : i32
      %get3A_79 = arith.index_cast %add3A_78 : i32 to index
      %get3A_80 = tpu.vector_load %arg8[%get3A_79] {strides = array<i32>} : memref<16384xi32, #tpu.memory_space<vmem>>, vector<16xi32>,
      %gather3A_81 = tpu.vector_load_idx %arg7[%get3A_80] : memref<100000xf32, #tpu.memory_space<vmem>>[vector<16xi32>], vector<16xf32>,
      %mul3A_82 = arith.constant 16 : i32
      %mul3A_83 = arith.muli %add3A_74, %mul3A_82 : i32
      %swap3A_84 = arith.index_cast %mul3A_83 : i32 to index
      %swap3A_85 = tpu.vector_load %arg9[%swap3A_84] {strides = array<i32>} : memref<8192xf32, #tpu.memory_space<vmem>>, vector<16xf32>,
      tpu.vector_store %arg9[%swap3A_84], %gather3A_81 {strides = array<i32>} : memref<8192xf32, #tpu.memory_space<vmem>>, vector<16xf32>,
      %mul3A_86 = arith.constant 8 : i32
      %mul3A_87 = arith.muli %scan3A_28, %mul3A_86 : i32
      %add3A_88 = arith.constant 4 : i32
      %add3A_89 = arith.addi %mul3A_87, %add3A_88 : i32
      %mul3A_90 = arith.constant 16 : i32
      %mul3A_91 = arith.muli %add3A_89, %mul3A_90 : i32
      %add3A_92 = arith.constant 8192 : i32
      %add3A_93 = arith.addi %add3A_92, %mul3A_91 : i32
      %get3A_94 = arith.index_cast %add3A_93 : i32 to index
      %get3A_95 = tpu.vector_load %arg8[%get3A_94] {strides = array<i32>} : memref<16384xi32, #tpu.memory_space<vmem>>, vector<16xi32>,
      %gather3A_96 = tpu.vector_load_idx %arg7[%get3A_95] : memref<100000xf32, #tpu.memory_space<vmem>>[vector<16xi32>], vector<16xf32>,
      %mul3A_97 = arith.constant 16 : i32
      %mul3A_98 = arith.muli %add3A_89, %mul3A_97 : i32
      %swap3A_99 = arith.index_cast %mul3A_98 : i32 to index
      %swap3A_100 = tpu.vector_load %arg9[%swap3A_99] {strides = array<i32>} : memref<8192xf32, #tpu.memory_space<vmem>>, vector<16xf32>,
      tpu.vector_store %arg9[%swap3A_99], %gather3A_96 {strides = array<i32>} : memref<8192xf32, #tpu.memory_space<vmem>>, vector<16xf32>,
      %mul3A_101 = arith.constant 8 : i32
      %mul3A_102 = arith.muli %scan3A_28, %mul3A_101 : i32
      %add3A_103 = arith.constant 5 : i32
      %add3A_104 = arith.addi %mul3A_102, %add3A_103 : i32
      %mul3A_105 = arith.constant 16 : i32
      %mul3A_106 = arith.muli %add3A_104, %mul3A_105 : i32
      %add3A_107 = arith.constant 8192 : i32
      %add3A_108 = arith.addi %add3A_107, %mul3A_106 : i32
      %get3A_109 = arith.index_cast %add3A_108 : i32 to index
      %get3A_110 = tpu.vector_load %arg8[%get3A_109] {strides = array<i32>} : memref<16384xi32, #tpu.memory_space<vmem>>, vector<16xi32>,
      %gather3A_111 = tpu.vector_load_idx %arg7[%get3A_110] : memref<100000xf32, #tpu.memory_space<vmem>>[vector<16xi32>], vector<16xf32>,
      %mul3A_112 = arith.constant 16 : i32
      %mul3A_113 = arith.muli %add3A_104, %mul3A_112 : i32
      %swap3A_114 = arith.index_cast %mul3A_113 : i32 to index
      %swap3A_115 = tpu.vector_load %arg9[%swap3A_114] {strides = array<i32>} : memref<8192xf32, #tpu.memory_space<vmem>>, vector<16xf32>,
      tpu.vector_store %arg9[%swap3A_114], %gather3A_111 {strides = array<i32>} : memref<8192xf32, #tpu.memory_space<vmem>>, vector<16xf32>,
      %mul3A_116 = arith.constant 8 : i32
      %mul3A_117 = arith.muli %scan3A_28, %mul3A_116 : i32
      %add3A_118 = arith.constant 6 : i32
      %add3A_119 = arith.addi %mul3A_117, %add3A_118 : i32
      %mul3A_120 = arith.constant 16 : i32
      %mul3A_121 = arith.muli %add3A_119, %mul3A_120 : i32
      %add3A_122 = arith.constant 8192 : i32
      %add3A_123 = arith.addi %add3A_122, %mul3A_121 : i32
      %get3A_124 = arith.index_cast %add3A_123 : i32 to index
      %get3A_125 = tpu.vector_load %arg8[%get3A_124] {strides = array<i32>} : memref<16384xi32, #tpu.memory_space<vmem>>, vector<16xi32>,
      %gather3A_126 = tpu.vector_load_idx %arg7[%get3A_125] : memref<100000xf32, #tpu.memory_space<vmem>>[vector<16xi32>], vector<16xf32>,
      %mul3A_127 = arith.constant 16 : i32
      %mul3A_128 = arith.muli %add3A_119, %mul3A_127 : i32
      %swap3A_129 = arith.index_cast %mul3A_128 : i32 to index
      %swap3A_130 = tpu.vector_load %arg9[%swap3A_129] {strides = array<i32>} : memref<8192xf32, #tpu.memory_space<vmem>>, vector<16xf32>,
      tpu.vector_store %arg9[%swap3A_129], %gather3A_126 {strides = array<i32>} : memref<8192xf32, #tpu.memory_space<vmem>>, vector<16xf32>,
      %mul3A_131 = arith.constant 8 : i32
      %mul3A_132 = arith.muli %scan3A_28, %mul3A_131 : i32
      %add3A_133 = arith.constant 7 : i32
      %add3A_134 = arith.addi %mul3A_132, %add3A_133 : i32
      %mul3A_135 = arith.constant 16 : i32
      %mul3A_136 = arith.muli %add3A_134, %mul3A_135 : i32
      %add3A_137 = arith.constant 8192 : i32
      %add3A_138 = arith.addi %add3A_137, %mul3A_136 : i32
      %get3A_139 = arith.index_cast %add3A_138 : i32 to index
      %get3A_140 = tpu.vector_load %arg8[%get3A_139] {strides = array<i32>} : memref<16384xi32, #tpu.memory_space<vmem>>, vector<16xi32>,
      %gather3A_141 = tpu.vector_load_idx %arg7[%get3A_140] : memref<100000xf32, #tpu.memory_space<vmem>>[vector<16xi32>], vector<16xf32>,
      %mul3A_142 = arith.constant 16 : i32
      %mul3A_143 = arith.muli %add3A_134, %mul3A_142 : i32
      %swap3A_144 = arith.index_cast %mul3A_143 : i32 to index
      %swap3A_145 = tpu.vector_load %arg9[%swap3A_144] {strides = array<i32>} : memref<8192xf32, #tpu.memory_space<vmem>>, vector<16xf32>,
      tpu.vector_store %arg9[%swap3A_144], %gather3A_141 {strides = array<i32>} : memref<8192xf32, #tpu.memory_space<vmem>>, vector<16xf32>,
    }
    %scan3A_13 = arith.constant 64 : i32
    "tpu.region"() ({
      %run_scoped3A = tpu.sem_alloc : memref<!tpu.dma_semaphore, #tpu.memory_space<semaphore_mem>>
      %dma_start3A = arith.constant 8192 : i32
      %dma_start3A_28 = tpu.memref_slice %arg5[%add3A, %dma_start3A] : memref<32x16384xf32, #tpu.memory_space<hbm>> -> memref<1x8192xf32, #tpu.memory_space<hbm>>
      %dma_start3A_29 = tpu.memref_squeeze %dma_start3A_28 : memref<1x8192xf32, #tpu.memory_space<hbm>> -> memref<8192xf32, #tpu.memory_space<hbm>>
      %dma_start3A_30 = arith.constant 8192 : i32
      %dma_start3A_31 = tpu.memref_slice %arg5[%add3A, %dma_start3A_30] : memref<32x16384xf32, #tpu.memory_space<hbm>> -> memref<1x8192xf32, #tpu.memory_space<hbm>>
      %dma_start3A_32 = tpu.memref_squeeze %dma_start3A_31 : memref<1x8192xf32, #tpu.memory_space<hbm>> -> memref<8192xf32, #tpu.memory_space<hbm>>
      tpu.enqueue_dma source(%arg9 : memref<8192xf32, #tpu.memory_space<vmem>>) target(%dma_start3A_32 : memref<8192xf32, #tpu.memory_space<hbm>>) target_semaphore(%run_scoped3A : memref<!tpu.dma_semaphore, #tpu.memory_space<semaphore_mem>>)
      %dma_wait3A = arith.constant 8192 : i32
      %dma_wait3A_33 = tpu.memref_slice %arg5[%add3A, %dma_wait3A] : memref<32x16384xf32, #tpu.memory_space<hbm>> -> memref<1x8192xf32, #tpu.memory_space<hbm>>
      %dma_wait3A_34 = tpu.memref_squeeze %dma_wait3A_33 : memref<1x8192xf32, #tpu.memory_space<hbm>> -> memref<8192xf32, #tpu.memory_space<hbm>>
      %dma_wait3A_35 = arith.constant 8192 : i32
      %dma_wait3A_36 = tpu.memref_slice %arg5[%add3A, %dma_wait3A_35] : memref<32x16384xf32, #tpu.memory_space<hbm>> -> memref<1x8192xf32, #tpu.memory_space<hbm>>
      %dma_wait3A_37 = tpu.memref_squeeze %dma_wait3A_36 : memref<1x8192xf32, #tpu.memory_space<hbm>> -> memref<8192xf32, #tpu.memory_space<hbm>>
      tpu.wait_dma2 semaphore(%run_scoped3A : memref<!tpu.dma_semaphore, #tpu.memory_space<semaphore_mem>>) src(%arg9 : memref<8192xf32, #tpu.memory_space<vmem>>) dst(%dma_wait3A_37 : memref<8192xf32, #tpu.memory_space<hbm>>)
      tpu.yield
    }) : () -> ()
    %add3A_14 = arith.constant 32 : i32
    %add3A_15 = arith.addi %add3A_14, %add3A : i32
    "tpu.region"() ({
      %run_scoped3A = tpu.sem_alloc : memref<!tpu.dma_semaphore, #tpu.memory_space<semaphore_mem>>
      %dma_start3A = arith.constant 0 : i32
      %dma_start3A_28 = tpu.memref_slice %arg3[%add3A_15, %dma_start3A] : memref<64x100000xf32, #tpu.memory_space<hbm>> -> memref<1x100000xf32, #tpu.memory_space<hbm>>
      %dma_start3A_29 = tpu.memref_squeeze %dma_start3A_28 : memref<1x100000xf32, #tpu.memory_space<hbm>> -> memref<100000xf32, #tpu.memory_space<hbm>>
      %dma_start3A_30 = arith.constant 0 : i32
      %dma_start3A_31 = tpu.memref_slice %arg3[%add3A_15, %dma_start3A_30] : memref<64x100000xf32, #tpu.memory_space<hbm>> -> memref<1x100000xf32, #tpu.memory_space<hbm>>
      %dma_start3A_32 = tpu.memref_squeeze %dma_start3A_31 : memref<1x100000xf32, #tpu.memory_space<hbm>> -> memref<100000xf32, #tpu.memory_space<hbm>>
      tpu.enqueue_dma source(%dma_start3A_32 : memref<100000xf32, #tpu.memory_space<hbm>>) target(%arg7 : memref<100000xf32, #tpu.memory_space<vmem>>) target_semaphore(%run_scoped3A : memref<!tpu.dma_semaphore, #tpu.memory_space<semaphore_mem>>)
      %dma_wait3A = arith.constant 0 : i32
      %dma_wait3A_33 = tpu.memref_slice %arg3[%add3A_15, %dma_wait3A] : memref<64x100000xf32, #tpu.memory_space<hbm>> -> memref<1x100000xf32, #tpu.memory_space<hbm>>
      %dma_wait3A_34 = tpu.memref_squeeze %dma_wait3A_33 : memref<1x100000xf32, #tpu.memory_space<hbm>> -> memref<100000xf32, #tpu.memory_space<hbm>>
      %dma_wait3A_35 = arith.constant 0 : i32
      %dma_wait3A_36 = tpu.memref_slice %arg3[%add3A_15, %dma_wait3A_35] : memref<64x100000xf32, #tpu.memory_space<hbm>> -> memref<1x100000xf32, #tpu.memory_space<hbm>>
      %dma_wait3A_37 = tpu.memref_squeeze %dma_wait3A_36 : memref<1x100000xf32, #tpu.memory_space<hbm>> -> memref<100000xf32, #tpu.memory_space<hbm>>
      tpu.wait_dma2 semaphore(%run_scoped3A : memref<!tpu.dma_semaphore, #tpu.memory_space<semaphore_mem>>) src(%dma_wait3A_37 : memref<100000xf32, #tpu.memory_space<hbm>>) dst(%arg7 : memref<100000xf32, #tpu.memory_space<vmem>>)
      tpu.yield
    }) : () -> ()
    %scan3A_16 = arith.constant 0 : i32
    %scan3A_17 = arith.constant 0 : i32
    %scan3A_18 = arith.constant 64 : i32
    %scan3A_19 = arith.addi %scan3A_17, %scan3A_18 : i32
    %scan3A_20 = arith.constant 1 : i32
    scf.for %scan3A_28 = %scan3A_17 to %scan3A_19 step %scan3A_20  : i32 {
      %mul3A_29 = arith.constant 8 : i32
      %mul3A_30 = arith.muli %scan3A_28, %mul3A_29 : i32
      %add3A_31 = arith.constant 0 : i32
      %add3A_32 = arith.addi %mul3A_30, %add3A_31 : i32
      %mul3A_33 = arith.constant 16 : i32
      %mul3A_34 = arith.muli %add3A_32, %mul3A_33 : i32
      %add3A_35 = arith.constant 0 : i32
      %add3A_36 = arith.addi %add3A_35, %mul3A_34 : i32
      %get3A = arith.index_cast %add3A_36 : i32 to index
      %get3A_37 = tpu.vector_load %arg8[%get3A] {strides = array<i32>} : memref<16384xi32, #tpu.memory_space<vmem>>, vector<16xi32>,
      %gather3A = tpu.vector_load_idx %arg7[%get3A_37] : memref<100000xf32, #tpu.memory_space<vmem>>[vector<16xi32>], vector<16xf32>,
      %mul3A_38 = arith.constant 16 : i32
      %mul3A_39 = arith.muli %add3A_32, %mul3A_38 : i32
      %swap3A = arith.index_cast %mul3A_39 : i32 to index
      %swap3A_40 = tpu.vector_load %arg9[%swap3A] {strides = array<i32>} : memref<8192xf32, #tpu.memory_space<vmem>>, vector<16xf32>,
      tpu.vector_store %arg9[%swap3A], %gather3A {strides = array<i32>} : memref<8192xf32, #tpu.memory_space<vmem>>, vector<16xf32>,
      %mul3A_41 = arith.constant 8 : i32
      %mul3A_42 = arith.muli %scan3A_28, %mul3A_41 : i32
      %add3A_43 = arith.constant 1 : i32
      %add3A_44 = arith.addi %mul3A_42, %add3A_43 : i32
      %mul3A_45 = arith.constant 16 : i32
      %mul3A_46 = arith.muli %add3A_44, %mul3A_45 : i32
      %add3A_47 = arith.constant 0 : i32
      %add3A_48 = arith.addi %add3A_47, %mul3A_46 : i32
      %get3A_49 = arith.index_cast %add3A_48 : i32 to index
      %get3A_50 = tpu.vector_load %arg8[%get3A_49] {strides = array<i32>} : memref<16384xi32, #tpu.memory_space<vmem>>, vector<16xi32>,
      %gather3A_51 = tpu.vector_load_idx %arg7[%get3A_50] : memref<100000xf32, #tpu.memory_space<vmem>>[vector<16xi32>], vector<16xf32>,
      %mul3A_52 = arith.constant 16 : i32
      %mul3A_53 = arith.muli %add3A_44, %mul3A_52 : i32
      %swap3A_54 = arith.index_cast %mul3A_53 : i32 to index
      %swap3A_55 = tpu.vector_load %arg9[%swap3A_54] {strides = array<i32>} : memref<8192xf32, #tpu.memory_space<vmem>>, vector<16xf32>,
      tpu.vector_store %arg9[%swap3A_54], %gather3A_51 {strides = array<i32>} : memref<8192xf32, #tpu.memory_space<vmem>>, vector<16xf32>,
      %mul3A_56 = arith.constant 8 : i32
      %mul3A_57 = arith.muli %scan3A_28, %mul3A_56 : i32
      %add3A_58 = arith.constant 2 : i32
      %add3A_59 = arith.addi %mul3A_57, %add3A_58 : i32
      %mul3A_60 = arith.constant 16 : i32
      %mul3A_61 = arith.muli %add3A_59, %mul3A_60 : i32
      %add3A_62 = arith.constant 0 : i32
      %add3A_63 = arith.addi %add3A_62, %mul3A_61 : i32
      %get3A_64 = arith.index_cast %add3A_63 : i32 to index
      %get3A_65 = tpu.vector_load %arg8[%get3A_64] {strides = array<i32>} : memref<16384xi32, #tpu.memory_space<vmem>>, vector<16xi32>,
      %gather3A_66 = tpu.vector_load_idx %arg7[%get3A_65] : memref<100000xf32, #tpu.memory_space<vmem>>[vector<16xi32>], vector<16xf32>,
      %mul3A_67 = arith.constant 16 : i32
      %mul3A_68 = arith.muli %add3A_59, %mul3A_67 : i32
      %swap3A_69 = arith.index_cast %mul3A_68 : i32 to index
      %swap3A_70 = tpu.vector_load %arg9[%swap3A_69] {strides = array<i32>} : memref<8192xf32, #tpu.memory_space<vmem>>, vector<16xf32>,
      tpu.vector_store %arg9[%swap3A_69], %gather3A_66 {strides = array<i32>} : memref<8192xf32, #tpu.memory_space<vmem>>, vector<16xf32>,
      %mul3A_71 = arith.constant 8 : i32
      %mul3A_72 = arith.muli %scan3A_28, %mul3A_71 : i32
      %add3A_73 = arith.constant 3 : i32
      %add3A_74 = arith.addi %mul3A_72, %add3A_73 : i32
      %mul3A_75 = arith.constant 16 : i32
      %mul3A_76 = arith.muli %add3A_74, %mul3A_75 : i32
      %add3A_77 = arith.constant 0 : i32
      %add3A_78 = arith.addi %add3A_77, %mul3A_76 : i32
      %get3A_79 = arith.index_cast %add3A_78 : i32 to index
      %get3A_80 = tpu.vector_load %arg8[%get3A_79] {strides = array<i32>} : memref<16384xi32, #tpu.memory_space<vmem>>, vector<16xi32>,
      %gather3A_81 = tpu.vector_load_idx %arg7[%get3A_80] : memref<100000xf32, #tpu.memory_space<vmem>>[vector<16xi32>], vector<16xf32>,
      %mul3A_82 = arith.constant 16 : i32
      %mul3A_83 = arith.muli %add3A_74, %mul3A_82 : i32
      %swap3A_84 = arith.index_cast %mul3A_83 : i32 to index
      %swap3A_85 = tpu.vector_load %arg9[%swap3A_84] {strides = array<i32>} : memref<8192xf32, #tpu.memory_space<vmem>>, vector<16xf32>,
      tpu.vector_store %arg9[%swap3A_84], %gather3A_81 {strides = array<i32>} : memref<8192xf32, #tpu.memory_space<vmem>>, vector<16xf32>,
      %mul3A_86 = arith.constant 8 : i32
      %mul3A_87 = arith.muli %scan3A_28, %mul3A_86 : i32
      %add3A_88 = arith.constant 4 : i32
      %add3A_89 = arith.addi %mul3A_87, %add3A_88 : i32
      %mul3A_90 = arith.constant 16 : i32
      %mul3A_91 = arith.muli %add3A_89, %mul3A_90 : i32
      %add3A_92 = arith.constant 0 : i32
      %add3A_93 = arith.addi %add3A_92, %mul3A_91 : i32
      %get3A_94 = arith.index_cast %add3A_93 : i32 to index
      %get3A_95 = tpu.vector_load %arg8[%get3A_94] {strides = array<i32>} : memref<16384xi32, #tpu.memory_space<vmem>>, vector<16xi32>,
      %gather3A_96 = tpu.vector_load_idx %arg7[%get3A_95] : memref<100000xf32, #tpu.memory_space<vmem>>[vector<16xi32>], vector<16xf32>,
      %mul3A_97 = arith.constant 16 : i32
      %mul3A_98 = arith.muli %add3A_89, %mul3A_97 : i32
      %swap3A_99 = arith.index_cast %mul3A_98 : i32 to index
      %swap3A_100 = tpu.vector_load %arg9[%swap3A_99] {strides = array<i32>} : memref<8192xf32, #tpu.memory_space<vmem>>, vector<16xf32>,
      tpu.vector_store %arg9[%swap3A_99], %gather3A_96 {strides = array<i32>} : memref<8192xf32, #tpu.memory_space<vmem>>, vector<16xf32>,
      %mul3A_101 = arith.constant 8 : i32
      %mul3A_102 = arith.muli %scan3A_28, %mul3A_101 : i32
      %add3A_103 = arith.constant 5 : i32
      %add3A_104 = arith.addi %mul3A_102, %add3A_103 : i32
      %mul3A_105 = arith.constant 16 : i32
      %mul3A_106 = arith.muli %add3A_104, %mul3A_105 : i32
      %add3A_107 = arith.constant 0 : i32
      %add3A_108 = arith.addi %add3A_107, %mul3A_106 : i32
      %get3A_109 = arith.index_cast %add3A_108 : i32 to index
      %get3A_110 = tpu.vector_load %arg8[%get3A_109] {strides = array<i32>} : memref<16384xi32, #tpu.memory_space<vmem>>, vector<16xi32>,
      %gather3A_111 = tpu.vector_load_idx %arg7[%get3A_110] : memref<100000xf32, #tpu.memory_space<vmem>>[vector<16xi32>], vector<16xf32>,
      %mul3A_112 = arith.constant 16 : i32
      %mul3A_113 = arith.muli %add3A_104, %mul3A_112 : i32
      %swap3A_114 = arith.index_cast %mul3A_113 : i32 to index
      %swap3A_115 = tpu.vector_load %arg9[%swap3A_114] {strides = array<i32>} : memref<8192xf32, #tpu.memory_space<vmem>>, vector<16xf32>,
      tpu.vector_store %arg9[%swap3A_114], %gather3A_111 {strides = array<i32>} : memref<8192xf32, #tpu.memory_space<vmem>>, vector<16xf32>,
      %mul3A_116 = arith.constant 8 : i32
      %mul3A_117 = arith.muli %scan3A_28, %mul3A_116 : i32
      %add3A_118 = arith.constant 6 : i32
      %add3A_119 = arith.addi %mul3A_117, %add3A_118 : i32
      %mul3A_120 = arith.constant 16 : i32
      %mul3A_121 = arith.muli %add3A_119, %mul3A_120 : i32
      %add3A_122 = arith.constant 0 : i32
      %add3A_123 = arith.addi %add3A_122, %mul3A_121 : i32
      %get3A_124 = arith.index_cast %add3A_123 : i32 to index
      %get3A_125 = tpu.vector_load %arg8[%get3A_124] {strides = array<i32>} : memref<16384xi32, #tpu.memory_space<vmem>>, vector<16xi32>,
      %gather3A_126 = tpu.vector_load_idx %arg7[%get3A_125] : memref<100000xf32, #tpu.memory_space<vmem>>[vector<16xi32>], vector<16xf32>,
      %mul3A_127 = arith.constant 16 : i32
      %mul3A_128 = arith.muli %add3A_119, %mul3A_127 : i32
      %swap3A_129 = arith.index_cast %mul3A_128 : i32 to index
      %swap3A_130 = tpu.vector_load %arg9[%swap3A_129] {strides = array<i32>} : memref<8192xf32, #tpu.memory_space<vmem>>, vector<16xf32>,
      tpu.vector_store %arg9[%swap3A_129], %gather3A_126 {strides = array<i32>} : memref<8192xf32, #tpu.memory_space<vmem>>, vector<16xf32>,
      %mul3A_131 = arith.constant 8 : i32
      %mul3A_132 = arith.muli %scan3A_28, %mul3A_131 : i32
      %add3A_133 = arith.constant 7 : i32
      %add3A_134 = arith.addi %mul3A_132, %add3A_133 : i32
      %mul3A_135 = arith.constant 16 : i32
      %mul3A_136 = arith.muli %add3A_134, %mul3A_135 : i32
      %add3A_137 = arith.constant 0 : i32
      %add3A_138 = arith.addi %add3A_137, %mul3A_136 : i32
      %get3A_139 = arith.index_cast %add3A_138 : i32 to index
      %get3A_140 = tpu.vector_load %arg8[%get3A_139] {strides = array<i32>} : memref<16384xi32, #tpu.memory_space<vmem>>, vector<16xi32>,
      %gather3A_141 = tpu.vector_load_idx %arg7[%get3A_140] : memref<100000xf32, #tpu.memory_space<vmem>>[vector<16xi32>], vector<16xf32>,
      %mul3A_142 = arith.constant 16 : i32
      %mul3A_143 = arith.muli %add3A_134, %mul3A_142 : i32
      %swap3A_144 = arith.index_cast %mul3A_143 : i32 to index
      %swap3A_145 = tpu.vector_load %arg9[%swap3A_144] {strides = array<i32>} : memref<8192xf32, #tpu.memory_space<vmem>>, vector<16xf32>,
      tpu.vector_store %arg9[%swap3A_144], %gather3A_141 {strides = array<i32>} : memref<8192xf32, #tpu.memory_space<vmem>>, vector<16xf32>,
    }
    %scan3A_21 = arith.constant 64 : i32
    "tpu.region"() ({
      %run_scoped3A = tpu.sem_alloc : memref<!tpu.dma_semaphore, #tpu.memory_space<semaphore_mem>>
      %dma_start3A = arith.constant 0 : i32
      %dma_start3A_28 = tpu.memref_slice %arg6[%add3A, %dma_start3A] : memref<32x16384xf32, #tpu.memory_space<hbm>> -> memref<1x8192xf32, #tpu.memory_space<hbm>>
      %dma_start3A_29 = tpu.memref_squeeze %dma_start3A_28 : memref<1x8192xf32, #tpu.memory_space<hbm>> -> memref<8192xf32, #tpu.memory_space<hbm>>
      %dma_start3A_30 = arith.constant 0 : i32
      %dma_start3A_31 = tpu.memref_slice %arg6[%add3A, %dma_start3A_30] : memref<32x16384xf32, #tpu.memory_space<hbm>> -> memref<1x8192xf32, #tpu.memory_space<hbm>>
      %dma_start3A_32 = tpu.memref_squeeze %dma_start3A_31 : memref<1x8192xf32, #tpu.memory_space<hbm>> -> memref<8192xf32, #tpu.memory_space<hbm>>
      tpu.enqueue_dma source(%arg9 : memref<8192xf32, #tpu.memory_space<vmem>>) target(%dma_start3A_32 : memref<8192xf32, #tpu.memory_space<hbm>>) target_semaphore(%run_scoped3A : memref<!tpu.dma_semaphore, #tpu.memory_space<semaphore_mem>>)
      %dma_wait3A = arith.constant 0 : i32
      %dma_wait3A_33 = tpu.memref_slice %arg6[%add3A, %dma_wait3A] : memref<32x16384xf32, #tpu.memory_space<hbm>> -> memref<1x8192xf32, #tpu.memory_space<hbm>>
      %dma_wait3A_34 = tpu.memref_squeeze %dma_wait3A_33 : memref<1x8192xf32, #tpu.memory_space<hbm>> -> memref<8192xf32, #tpu.memory_space<hbm>>
      %dma_wait3A_35 = arith.constant 0 : i32
      %dma_wait3A_36 = tpu.memref_slice %arg6[%add3A, %dma_wait3A_35] : memref<32x16384xf32, #tpu.memory_space<hbm>> -> memref<1x8192xf32, #tpu.memory_space<hbm>>
      %dma_wait3A_37 = tpu.memref_squeeze %dma_wait3A_36 : memref<1x8192xf32, #tpu.memory_space<hbm>> -> memref<8192xf32, #tpu.memory_space<hbm>>
      tpu.wait_dma2 semaphore(%run_scoped3A : memref<!tpu.dma_semaphore, #tpu.memory_space<semaphore_mem>>) src(%arg9 : memref<8192xf32, #tpu.memory_space<vmem>>) dst(%dma_wait3A_37 : memref<8192xf32, #tpu.memory_space<hbm>>)
      tpu.yield
    }) : () -> ()
    %scan3A_22 = arith.constant 0 : i32
    %scan3A_23 = arith.constant 0 : i32
    %scan3A_24 = arith.constant 64 : i32
    %scan3A_25 = arith.addi %scan3A_23, %scan3A_24 : i32
    %scan3A_26 = arith.constant 1 : i32
    scf.for %scan3A_28 = %scan3A_23 to %scan3A_25 step %scan3A_26  : i32 {
      %mul3A_29 = arith.constant 8 : i32
      %mul3A_30 = arith.muli %scan3A_28, %mul3A_29 : i32
      %add3A_31 = arith.constant 0 : i32
      %add3A_32 = arith.addi %mul3A_30, %add3A_31 : i32
      %mul3A_33 = arith.constant 16 : i32
      %mul3A_34 = arith.muli %add3A_32, %mul3A_33 : i32
      %add3A_35 = arith.constant 8192 : i32
      %add3A_36 = arith.addi %add3A_35, %mul3A_34 : i32
      %get3A = arith.index_cast %add3A_36 : i32 to index
      %get3A_37 = tpu.vector_load %arg8[%get3A] {strides = array<i32>} : memref<16384xi32, #tpu.memory_space<vmem>>, vector<16xi32>,
      %gather3A = tpu.vector_load_idx %arg7[%get3A_37] : memref<100000xf32, #tpu.memory_space<vmem>>[vector<16xi32>], vector<16xf32>,
      %mul3A_38 = arith.constant 16 : i32
      %mul3A_39 = arith.muli %add3A_32, %mul3A_38 : i32
      %swap3A = arith.index_cast %mul3A_39 : i32 to index
      %swap3A_40 = tpu.vector_load %arg9[%swap3A] {strides = array<i32>} : memref<8192xf32, #tpu.memory_space<vmem>>, vector<16xf32>,
      tpu.vector_store %arg9[%swap3A], %gather3A {strides = array<i32>} : memref<8192xf32, #tpu.memory_space<vmem>>, vector<16xf32>,
      %mul3A_41 = arith.constant 8 : i32
      %mul3A_42 = arith.muli %scan3A_28, %mul3A_41 : i32
      %add3A_43 = arith.constant 1 : i32
      %add3A_44 = arith.addi %mul3A_42, %add3A_43 : i32
      %mul3A_45 = arith.constant 16 : i32
      %mul3A_46 = arith.muli %add3A_44, %mul3A_45 : i32
      %add3A_47 = arith.constant 8192 : i32
      %add3A_48 = arith.addi %add3A_47, %mul3A_46 : i32
      %get3A_49 = arith.index_cast %add3A_48 : i32 to index
      %get3A_50 = tpu.vector_load %arg8[%get3A_49] {strides = array<i32>} : memref<16384xi32, #tpu.memory_space<vmem>>, vector<16xi32>,
      %gather3A_51 = tpu.vector_load_idx %arg7[%get3A_50] : memref<100000xf32, #tpu.memory_space<vmem>>[vector<16xi32>], vector<16xf32>,
      %mul3A_52 = arith.constant 16 : i32
      %mul3A_53 = arith.muli %add3A_44, %mul3A_52 : i32
      %swap3A_54 = arith.index_cast %mul3A_53 : i32 to index
      %swap3A_55 = tpu.vector_load %arg9[%swap3A_54] {strides = array<i32>} : memref<8192xf32, #tpu.memory_space<vmem>>, vector<16xf32>,
      tpu.vector_store %arg9[%swap3A_54], %gather3A_51 {strides = array<i32>} : memref<8192xf32, #tpu.memory_space<vmem>>, vector<16xf32>,
      %mul3A_56 = arith.constant 8 : i32
      %mul3A_57 = arith.muli %scan3A_28, %mul3A_56 : i32
      %add3A_58 = arith.constant 2 : i32
      %add3A_59 = arith.addi %mul3A_57, %add3A_58 : i32
      %mul3A_60 = arith.constant 16 : i32
      %mul3A_61 = arith.muli %add3A_59, %mul3A_60 : i32
      %add3A_62 = arith.constant 8192 : i32
      %add3A_63 = arith.addi %add3A_62, %mul3A_61 : i32
      %get3A_64 = arith.index_cast %add3A_63 : i32 to index
      %get3A_65 = tpu.vector_load %arg8[%get3A_64] {strides = array<i32>} : memref<16384xi32, #tpu.memory_space<vmem>>, vector<16xi32>,
      %gather3A_66 = tpu.vector_load_idx %arg7[%get3A_65] : memref<100000xf32, #tpu.memory_space<vmem>>[vector<16xi32>], vector<16xf32>,
      %mul3A_67 = arith.constant 16 : i32
      %mul3A_68 = arith.muli %add3A_59, %mul3A_67 : i32
      %swap3A_69 = arith.index_cast %mul3A_68 : i32 to index
      %swap3A_70 = tpu.vector_load %arg9[%swap3A_69] {strides = array<i32>} : memref<8192xf32, #tpu.memory_space<vmem>>, vector<16xf32>,
      tpu.vector_store %arg9[%swap3A_69], %gather3A_66 {strides = array<i32>} : memref<8192xf32, #tpu.memory_space<vmem>>, vector<16xf32>,
      %mul3A_71 = arith.constant 8 : i32
      %mul3A_72 = arith.muli %scan3A_28, %mul3A_71 : i32
      %add3A_73 = arith.constant 3 : i32
      %add3A_74 = arith.addi %mul3A_72, %add3A_73 : i32
      %mul3A_75 = arith.constant 16 : i32
      %mul3A_76 = arith.muli %add3A_74, %mul3A_75 : i32
      %add3A_77 = arith.constant 8192 : i32
      %add3A_78 = arith.addi %add3A_77, %mul3A_76 : i32
      %get3A_79 = arith.index_cast %add3A_78 : i32 to index
      %get3A_80 = tpu.vector_load %arg8[%get3A_79] {strides = array<i32>} : memref<16384xi32, #tpu.memory_space<vmem>>, vector<16xi32>,
      %gather3A_81 = tpu.vector_load_idx %arg7[%get3A_80] : memref<100000xf32, #tpu.memory_space<vmem>>[vector<16xi32>], vector<16xf32>,
      %mul3A_82 = arith.constant 16 : i32
      %mul3A_83 = arith.muli %add3A_74, %mul3A_82 : i32
      %swap3A_84 = arith.index_cast %mul3A_83 : i32 to index
      %swap3A_85 = tpu.vector_load %arg9[%swap3A_84] {strides = array<i32>} : memref<8192xf32, #tpu.memory_space<vmem>>, vector<16xf32>,
      tpu.vector_store %arg9[%swap3A_84], %gather3A_81 {strides = array<i32>} : memref<8192xf32, #tpu.memory_space<vmem>>, vector<16xf32>,
      %mul3A_86 = arith.constant 8 : i32
      %mul3A_87 = arith.muli %scan3A_28, %mul3A_86 : i32
      %add3A_88 = arith.constant 4 : i32
      %add3A_89 = arith.addi %mul3A_87, %add3A_88 : i32
      %mul3A_90 = arith.constant 16 : i32
      %mul3A_91 = arith.muli %add3A_89, %mul3A_90 : i32
      %add3A_92 = arith.constant 8192 : i32
      %add3A_93 = arith.addi %add3A_92, %mul3A_91 : i32
      %get3A_94 = arith.index_cast %add3A_93 : i32 to index
      %get3A_95 = tpu.vector_load %arg8[%get3A_94] {strides = array<i32>} : memref<16384xi32, #tpu.memory_space<vmem>>, vector<16xi32>,
      %gather3A_96 = tpu.vector_load_idx %arg7[%get3A_95] : memref<100000xf32, #tpu.memory_space<vmem>>[vector<16xi32>], vector<16xf32>,
      %mul3A_97 = arith.constant 16 : i32
      %mul3A_98 = arith.muli %add3A_89, %mul3A_97 : i32
      %swap3A_99 = arith.index_cast %mul3A_98 : i32 to index
      %swap3A_100 = tpu.vector_load %arg9[%swap3A_99] {strides = array<i32>} : memref<8192xf32, #tpu.memory_space<vmem>>, vector<16xf32>,
      tpu.vector_store %arg9[%swap3A_99], %gather3A_96 {strides = array<i32>} : memref<8192xf32, #tpu.memory_space<vmem>>, vector<16xf32>,
      %mul3A_101 = arith.constant 8 : i32
      %mul3A_102 = arith.muli %scan3A_28, %mul3A_101 : i32
      %add3A_103 = arith.constant 5 : i32
      %add3A_104 = arith.addi %mul3A_102, %add3A_103 : i32
      %mul3A_105 = arith.constant 16 : i32
      %mul3A_106 = arith.muli %add3A_104, %mul3A_105 : i32
      %add3A_107 = arith.constant 8192 : i32
      %add3A_108 = arith.addi %add3A_107, %mul3A_106 : i32
      %get3A_109 = arith.index_cast %add3A_108 : i32 to index
      %get3A_110 = tpu.vector_load %arg8[%get3A_109] {strides = array<i32>} : memref<16384xi32, #tpu.memory_space<vmem>>, vector<16xi32>,
      %gather3A_111 = tpu.vector_load_idx %arg7[%get3A_110] : memref<100000xf32, #tpu.memory_space<vmem>>[vector<16xi32>], vector<16xf32>,
      %mul3A_112 = arith.constant 16 : i32
      %mul3A_113 = arith.muli %add3A_104, %mul3A_112 : i32
      %swap3A_114 = arith.index_cast %mul3A_113 : i32 to index
      %swap3A_115 = tpu.vector_load %arg9[%swap3A_114] {strides = array<i32>} : memref<8192xf32, #tpu.memory_space<vmem>>, vector<16xf32>,
      tpu.vector_store %arg9[%swap3A_114], %gather3A_111 {strides = array<i32>} : memref<8192xf32, #tpu.memory_space<vmem>>, vector<16xf32>,
      %mul3A_116 = arith.constant 8 : i32
      %mul3A_117 = arith.muli %scan3A_28, %mul3A_116 : i32
      %add3A_118 = arith.constant 6 : i32
      %add3A_119 = arith.addi %mul3A_117, %add3A_118 : i32
      %mul3A_120 = arith.constant 16 : i32
      %mul3A_121 = arith.muli %add3A_119, %mul3A_120 : i32
      %add3A_122 = arith.constant 8192 : i32
      %add3A_123 = arith.addi %add3A_122, %mul3A_121 : i32
      %get3A_124 = arith.index_cast %add3A_123 : i32 to index
      %get3A_125 = tpu.vector_load %arg8[%get3A_124] {strides = array<i32>} : memref<16384xi32, #tpu.memory_space<vmem>>, vector<16xi32>,
      %gather3A_126 = tpu.vector_load_idx %arg7[%get3A_125] : memref<100000xf32, #tpu.memory_space<vmem>>[vector<16xi32>], vector<16xf32>,
      %mul3A_127 = arith.constant 16 : i32
      %mul3A_128 = arith.muli %add3A_119, %mul3A_127 : i32
      %swap3A_129 = arith.index_cast %mul3A_128 : i32 to index
      %swap3A_130 = tpu.vector_load %arg9[%swap3A_129] {strides = array<i32>} : memref<8192xf32, #tpu.memory_space<vmem>>, vector<16xf32>,
      tpu.vector_store %arg9[%swap3A_129], %gather3A_126 {strides = array<i32>} : memref<8192xf32, #tpu.memory_space<vmem>>, vector<16xf32>,
      %mul3A_131 = arith.constant 8 : i32
      %mul3A_132 = arith.muli %scan3A_28, %mul3A_131 : i32
      %add3A_133 = arith.constant 7 : i32
      %add3A_134 = arith.addi %mul3A_132, %add3A_133 : i32
      %mul3A_135 = arith.constant 16 : i32
      %mul3A_136 = arith.muli %add3A_134, %mul3A_135 : i32
      %add3A_137 = arith.constant 8192 : i32
      %add3A_138 = arith.addi %add3A_137, %mul3A_136 : i32
      %get3A_139 = arith.index_cast %add3A_138 : i32 to index
      %get3A_140 = tpu.vector_load %arg8[%get3A_139] {strides = array<i32>} : memref<16384xi32, #tpu.memory_space<vmem>>, vector<16xi32>,
      %gather3A_141 = tpu.vector_load_idx %arg7[%get3A_140] : memref<100000xf32, #tpu.memory_space<vmem>>[vector<16xi32>], vector<16xf32>,
      %mul3A_142 = arith.constant 16 : i32
      %mul3A_143 = arith.muli %add3A_134, %mul3A_142 : i32
      %swap3A_144 = arith.index_cast %mul3A_143 : i32 to index
      %swap3A_145 = tpu.vector_load %arg9[%swap3A_144] {strides = array<i32>} : memref<8192xf32, #tpu.memory_space<vmem>>, vector<16xf32>,
      tpu.vector_store %arg9[%swap3A_144], %gather3A_141 {strides = array<i32>} : memref<8192xf32, #tpu.memory_space<vmem>>, vector<16xf32>,
    }
    %scan3A_27 = arith.constant 64 : i32
    "tpu.region"() ({
      %run_scoped3A = tpu.sem_alloc : memref<!tpu.dma_semaphore, #tpu.memory_space<semaphore_mem>>
      %dma_start3A = arith.constant 8192 : i32
      %dma_start3A_28 = tpu.memref_slice %arg6[%add3A, %dma_start3A] : memref<32x16384xf32, #tpu.memory_space<hbm>> -> memref<1x8192xf32, #tpu.memory_space<hbm>>
      %dma_start3A_29 = tpu.memref_squeeze %dma_start3A_28 : memref<1x8192xf32, #tpu.memory_space<hbm>> -> memref<8192xf32, #tpu.memory_space<hbm>>
      %dma_start3A_30 = arith.constant 8192 : i32
      %dma_start3A_31 = tpu.memref_slice %arg6[%add3A, %dma_start3A_30] : memref<32x16384xf32, #tpu.memory_space<hbm>> -> memref<1x8192xf32, #tpu.memory_space<hbm>>
      %dma_start3A_32 = tpu.memref_squeeze %dma_start3A_31 : memref<1x8192xf32, #tpu.memory_space<hbm>> -> memref<8192xf32, #tpu.memory_space<hbm>>
      tpu.enqueue_dma source(%arg9 : memref<8192xf32, #tpu.memory_space<vmem>>) target(%dma_start3A_32 : memref<8192xf32, #tpu.memory_space<hbm>>) target_semaphore(%run_scoped3A : memref<!tpu.dma_semaphore, #tpu.memory_space<semaphore_mem>>)
      %dma_wait3A = arith.constant 8192 : i32
      %dma_wait3A_33 = tpu.memref_slice %arg6[%add3A, %dma_wait3A] : memref<32x16384xf32, #tpu.memory_space<hbm>> -> memref<1x8192xf32, #tpu.memory_space<hbm>>
      %dma_wait3A_34 = tpu.memref_squeeze %dma_wait3A_33 : memref<1x8192xf32, #tpu.memory_space<hbm>> -> memref<8192xf32, #tpu.memory_space<hbm>>
      %dma_wait3A_35 = arith.constant 8192 : i32
      %dma_wait3A_36 = tpu.memref_slice %arg6[%add3A, %dma_wait3A_35] : memref<32x16384xf32, #tpu.memory_space<hbm>> -> memref<1x8192xf32, #tpu.memory_space<hbm>>
      %dma_wait3A_37 = tpu.memref_squeeze %dma_wait3A_36 : memref<1x8192xf32, #tpu.memory_space<hbm>> -> memref<8192xf32, #tpu.memory_space<hbm>>
      tpu.wait_dma2 semaphore(%run_scoped3A : memref<!tpu.dma_semaphore, #tpu.memory_space<semaphore_mem>>) src(%arg9 : memref<8192xf32, #tpu.memory_space<vmem>>) dst(%dma_wait3A_37 : memref<8192xf32, #tpu.memory_space<hbm>>)
      tpu.yield
    }) : () -> ()
    return
  }
}

#map = affine_map<(d0, d1) -> (0, 0)>
#map1 = affine_map<(d0, d1) -> (0)>
module attributes {stable_mosaic.version = 14 : i64} {
  func.func @k(%arg0: i32, %arg1: i32, %arg2: memref<64x100000xf32, #tpu.memory_space<hbm>>, %arg3: memref<64x100000xf32, #tpu.memory_space<hbm>>, %arg4: memref<16384xi32, #tpu.memory_space<hbm>>, %arg5: memref<32x16384xf32, #tpu.memory_space<hbm>>, %arg6: memref<32x16384xf32, #tpu.memory_space<hbm>>, %arg7: memref<100000xf32, #tpu.memory_space<vmem>>, %arg8: memref<16384xi32, #tpu.memory_space<vmem>>, %arg9: memref<8192xf32, #tpu.memory_space<vmem>>) attributes {dimension_semantics = [#tpu.dimension_semantics<core_parallel>, #tpu.dimension_semantics<subcore_parallel>], iteration_bounds = array<i64: 2, 16>, scalar_prefetch = 0 : i64, scratch_operands = 3 : i64, tpu.core_type = #tpu.core_type<sc_vector_subcore>, window_params = [{transform_indices = #map}, {transform_indices = #map}, {transform_indices = #map1}, {transform_indices = #map}, {transform_indices = #map}]} {
    %mul3A = arith.constant 2 : i32
    %mul3A_0 = arith.muli %arg1, %mul3A : i32
    %add3A = arith.addi %mul3A_0, %arg0 : i32
    "tpu.region"() ({
      %run_scoped3A = tpu.sem_alloc : memref<!tpu.dma_semaphore, #tpu.memory_space<semaphore_mem>>
      tpu.enqueue_dma source(%arg4 : memref<16384xi32, #tpu.memory_space<hbm>>) target(%arg8 : memref<16384xi32, #tpu.memory_space<vmem>>) target_semaphore(%run_scoped3A : memref<!tpu.dma_semaphore, #tpu.memory_space<semaphore_mem>>)
      tpu.wait_dma2 semaphore(%run_scoped3A : memref<!tpu.dma_semaphore, #tpu.memory_space<semaphore_mem>>) src(%arg4 : memref<16384xi32, #tpu.memory_space<hbm>>) dst(%arg8 : memref<16384xi32, #tpu.memory_space<vmem>>)
      tpu.yield
    }) : () -> ()
    %add3A_1 = arith.constant 0 : i32
    %add3A_2 = arith.addi %add3A_1, %add3A : i32
    "tpu.region"() ({
      %run_scoped3A = tpu.sem_alloc : memref<!tpu.dma_semaphore, #tpu.memory_space<semaphore_mem>>
      %dma_start3A = arith.constant 0 : i32
      %dma_start3A_28 = tpu.memref_slice %arg2[%add3A_2, %dma_start3A] : memref<64x100000xf32, #tpu.memory_space<hbm>> -> memref<1x100000xf32, #tpu.memory_space<hbm>>
      %dma_start3A_29 = tpu.memref_squeeze %dma_start3A_28 : memref<1x100000xf32, #tpu.memory_space<hbm>> -> memref<100000xf32, #tpu.memory_space<hbm>>
      %dma_start3A_30 = arith.constant 0 : i32
      %dma_start3A_31 = tpu.memref_slice %arg2[%add3A_2, %dma_start3A_30] : memref<64x100000xf32, #tpu.memory_space<hbm>> -> memref<1x100000xf32, #tpu.memory_space<hbm>>
      %dma_start3A_32 = tpu.memref_squeeze %dma_start3A_31 : memref<1x100000xf32, #tpu.memory_space<hbm>> -> memref<100000xf32, #tpu.memory_space<hbm>>
      tpu.enqueue_dma source(%dma_start3A_32 : memref<100000xf32, #tpu.memory_space<hbm>>) target(%arg7 : memref<100000xf32, #tpu.memory_space<vmem>>) target_semaphore(%run_scoped3A : memref<!tpu.dma_semaphore, #tpu.memory_space<semaphore_mem>>)
      %dma_wait3A = arith.constant 0 : i32
      %dma_wait3A_33 = tpu.memref_slice %arg2[%add3A_2, %dma_wait3A] : memref<64x100000xf32, #tpu.memory_space<hbm>> -> memref<1x100000xf32, #tpu.memory_space<hbm>>
      %dma_wait3A_34 = tpu.memref_squeeze %dma_wait3A_33 : memref<1x100000xf32, #tpu.memory_space<hbm>> -> memref<100000xf32, #tpu.memory_space<hbm>>
      %dma_wait3A_35 = arith.constant 0 : i32
      %dma_wait3A_36 = tpu.memref_slice %arg2[%add3A_2, %dma_wait3A_35] : memref<64x100000xf32, #tpu.memory_space<hbm>> -> memref<1x100000xf32, #tpu.memory_space<hbm>>
      %dma_wait3A_37 = tpu.memref_squeeze %dma_wait3A_36 : memref<1x100000xf32, #tpu.memory_space<hbm>> -> memref<100000xf32, #tpu.memory_space<hbm>>
      tpu.wait_dma2 semaphore(%run_scoped3A : memref<!tpu.dma_semaphore, #tpu.memory_space<semaphore_mem>>) src(%dma_wait3A_37 : memref<100000xf32, #tpu.memory_space<hbm>>) dst(%arg7 : memref<100000xf32, #tpu.memory_space<vmem>>)
      tpu.yield
    }) : () -> ()
    %scan3A = arith.constant 0 : i32
    %scan3A_3 = arith.constant 0 : i32
    %scan3A_4 = arith.constant 64 : i32
    %scan3A_5 = arith.addi %scan3A_3, %scan3A_4 : i32
    %scan3A_6 = arith.constant 1 : i32
    scf.for %scan3A_28 = %scan3A_3 to %scan3A_5 step %scan3A_6  : i32 {
      %mul3A_29 = arith.constant 8 : i32
      %mul3A_30 = arith.muli %scan3A_28, %mul3A_29 : i32
      %add3A_31 = arith.constant 0 : i32
      %add3A_32 = arith.addi %mul3A_30, %add3A_31 : i32
      %mul3A_33 = arith.constant 16 : i32
      %mul3A_34 = arith.muli %add3A_32, %mul3A_33 : i32
      %add3A_35 = arith.constant 0 : i32
      %add3A_36 = arith.addi %add3A_35, %mul3A_34 : i32
      %get3A = arith.index_cast %add3A_36 : i32 to index
      %get3A_37 = tpu.vector_load %arg8[%get3A] {strides = array<i32>} : memref<16384xi32, #tpu.memory_space<vmem>>, vector<16xi32>,
      %gather3A = tpu.vector_load_idx %arg7[%get3A_37] : memref<100000xf32, #tpu.memory_space<vmem>>[vector<16xi32>], vector<16xf32>,
      %mul3A_38 = arith.constant 16 : i32
      %mul3A_39 = arith.muli %add3A_32, %mul3A_38 : i32
      %swap3A = arith.index_cast %mul3A_39 : i32 to index
      %swap3A_40 = tpu.vector_load %arg9[%swap3A] {strides = array<i32>} : memref<8192xf32, #tpu.memory_space<vmem>>, vector<16xf32>,
      tpu.vector_store %arg9[%swap3A], %gather3A {strides = array<i32>} : memref<8192xf32, #tpu.memory_space<vmem>>, vector<16xf32>,
      %mul3A_41 = arith.constant 8 : i32
      %mul3A_42 = arith.muli %scan3A_28, %mul3A_41 : i32
      %add3A_43 = arith.constant 1 : i32
      %add3A_44 = arith.addi %mul3A_42, %add3A_43 : i32
      %mul3A_45 = arith.constant 16 : i32
      %mul3A_46 = arith.muli %add3A_44, %mul3A_45 : i32
      %add3A_47 = arith.constant 0 : i32
      %add3A_48 = arith.addi %add3A_47, %mul3A_46 : i32
      %get3A_49 = arith.index_cast %add3A_48 : i32 to index
      %get3A_50 = tpu.vector_load %arg8[%get3A_49] {strides = array<i32>} : memref<16384xi32, #tpu.memory_space<vmem>>, vector<16xi32>,
      %gather3A_51 = tpu.vector_load_idx %arg7[%get3A_50] : memref<100000xf32, #tpu.memory_space<vmem>>[vector<16xi32>], vector<16xf32>,
      %mul3A_52 = arith.constant 16 : i32
      %mul3A_53 = arith.muli %add3A_44, %mul3A_52 : i32
      %swap3A_54 = arith.index_cast %mul3A_53 : i32 to index
      %swap3A_55 = tpu.vector_load %arg9[%swap3A_54] {strides = array<i32>} : memref<8192xf32, #tpu.memory_space<vmem>>, vector<16xf32>,
      tpu.vector_store %arg9[%swap3A_54], %gather3A_51 {strides = array<i32>} : memref<8192xf32, #tpu.memory_space<vmem>>, vector<16xf32>,
      %mul3A_56 = arith.constant 8 : i32
      %mul3A_57 = arith.muli %scan3A_28, %mul3A_56 : i32
      %add3A_58 = arith.constant 2 : i32
      %add3A_59 = arith.addi %mul3A_57, %add3A_58 : i32
      %mul3A_60 = arith.constant 16 : i32
      %mul3A_61 = arith.muli %add3A_59, %mul3A_60 : i32
      %add3A_62 = arith.constant 0 : i32
      %add3A_63 = arith.addi %add3A_62, %mul3A_61 : i32
      %get3A_64 = arith.index_cast %add3A_63 : i32 to index
      %get3A_65 = tpu.vector_load %arg8[%get3A_64] {strides = array<i32>} : memref<16384xi32, #tpu.memory_space<vmem>>, vector<16xi32>,
      %gather3A_66 = tpu.vector_load_idx %arg7[%get3A_65] : memref<100000xf32, #tpu.memory_space<vmem>>[vector<16xi32>], vector<16xf32>,
      %mul3A_67 = arith.constant 16 : i32
      %mul3A_68 = arith.muli %add3A_59, %mul3A_67 : i32
      %swap3A_69 = arith.index_cast %mul3A_68 : i32 to index
      %swap3A_70 = tpu.vector_load %arg9[%swap3A_69] {strides = array<i32>} : memref<8192xf32, #tpu.memory_space<vmem>>, vector<16xf32>,
      tpu.vector_store %arg9[%swap3A_69], %gather3A_66 {strides = array<i32>} : memref<8192xf32, #tpu.memory_space<vmem>>, vector<16xf32>,
      %mul3A_71 = arith.constant 8 : i32
      %mul3A_72 = arith.muli %scan3A_28, %mul3A_71 : i32
      %add3A_73 = arith.constant 3 : i32
      %add3A_74 = arith.addi %mul3A_72, %add3A_73 : i32
      %mul3A_75 = arith.constant 16 : i32
      %mul3A_76 = arith.muli %add3A_74, %mul3A_75 : i32
      %add3A_77 = arith.constant 0 : i32
      %add3A_78 = arith.addi %add3A_77, %mul3A_76 : i32
      %get3A_79 = arith.index_cast %add3A_78 : i32 to index
      %get3A_80 = tpu.vector_load %arg8[%get3A_79] {strides = array<i32>} : memref<16384xi32, #tpu.memory_space<vmem>>, vector<16xi32>,
      %gather3A_81 = tpu.vector_load_idx %arg7[%get3A_80] : memref<100000xf32, #tpu.memory_space<vmem>>[vector<16xi32>], vector<16xf32>,
      %mul3A_82 = arith.constant 16 : i32
      %mul3A_83 = arith.muli %add3A_74, %mul3A_82 : i32
      %swap3A_84 = arith.index_cast %mul3A_83 : i32 to index
      %swap3A_85 = tpu.vector_load %arg9[%swap3A_84] {strides = array<i32>} : memref<8192xf32, #tpu.memory_space<vmem>>, vector<16xf32>,
      tpu.vector_store %arg9[%swap3A_84], %gather3A_81 {strides = array<i32>} : memref<8192xf32, #tpu.memory_space<vmem>>, vector<16xf32>,
      %mul3A_86 = arith.constant 8 : i32
      %mul3A_87 = arith.muli %scan3A_28, %mul3A_86 : i32
      %add3A_88 = arith.constant 4 : i32
      %add3A_89 = arith.addi %mul3A_87, %add3A_88 : i32
      %mul3A_90 = arith.constant 16 : i32
      %mul3A_91 = arith.muli %add3A_89, %mul3A_90 : i32
      %add3A_92 = arith.constant 0 : i32
      %add3A_93 = arith.addi %add3A_92, %mul3A_91 : i32
      %get3A_94 = arith.index_cast %add3A_93 : i32 to index
      %get3A_95 = tpu.vector_load %arg8[%get3A_94] {strides = array<i32>} : memref<16384xi32, #tpu.memory_space<vmem>>, vector<16xi32>,
      %gather3A_96 = tpu.vector_load_idx %arg7[%get3A_95] : memref<100000xf32, #tpu.memory_space<vmem>>[vector<16xi32>], vector<16xf32>,
      %mul3A_97 = arith.constant 16 : i32
      %mul3A_98 = arith.muli %add3A_89, %mul3A_97 : i32
      %swap3A_99 = arith.index_cast %mul3A_98 : i32 to index
      %swap3A_100 = tpu.vector_load %arg9[%swap3A_99] {strides = array<i32>} : memref<8192xf32, #tpu.memory_space<vmem>>, vector<16xf32>,
      tpu.vector_store %arg9[%swap3A_99], %gather3A_96 {strides = array<i32>} : memref<8192xf32, #tpu.memory_space<vmem>>, vector<16xf32>,
      %mul3A_101 = arith.constant 8 : i32
      %mul3A_102 = arith.muli %scan3A_28, %mul3A_101 : i32
      %add3A_103 = arith.constant 5 : i32
      %add3A_104 = arith.addi %mul3A_102, %add3A_103 : i32
      %mul3A_105 = arith.constant 16 : i32
      %mul3A_106 = arith.muli %add3A_104, %mul3A_105 : i32
      %add3A_107 = arith.constant 0 : i32
      %add3A_108 = arith.addi %add3A_107, %mul3A_106 : i32
      %get3A_109 = arith.index_cast %add3A_108 : i32 to index
      %get3A_110 = tpu.vector_load %arg8[%get3A_109] {strides = array<i32>} : memref<16384xi32, #tpu.memory_space<vmem>>, vector<16xi32>,
      %gather3A_111 = tpu.vector_load_idx %arg7[%get3A_110] : memref<100000xf32, #tpu.memory_space<vmem>>[vector<16xi32>], vector<16xf32>,
      %mul3A_112 = arith.constant 16 : i32
      %mul3A_113 = arith.muli %add3A_104, %mul3A_112 : i32
      %swap3A_114 = arith.index_cast %mul3A_113 : i32 to index
      %swap3A_115 = tpu.vector_load %arg9[%swap3A_114] {strides = array<i32>} : memref<8192xf32, #tpu.memory_space<vmem>>, vector<16xf32>,
      tpu.vector_store %arg9[%swap3A_114], %gather3A_111 {strides = array<i32>} : memref<8192xf32, #tpu.memory_space<vmem>>, vector<16xf32>,
      %mul3A_116 = arith.constant 8 : i32
      %mul3A_117 = arith.muli %scan3A_28, %mul3A_116 : i32
      %add3A_118 = arith.constant 6 : i32
      %add3A_119 = arith.addi %mul3A_117, %add3A_118 : i32
      %mul3A_120 = arith.constant 16 : i32
      %mul3A_121 = arith.muli %add3A_119, %mul3A_120 : i32
      %add3A_122 = arith.constant 0 : i32
      %add3A_123 = arith.addi %add3A_122, %mul3A_121 : i32
      %get3A_124 = arith.index_cast %add3A_123 : i32 to index
      %get3A_125 = tpu.vector_load %arg8[%get3A_124] {strides = array<i32>} : memref<16384xi32, #tpu.memory_space<vmem>>, vector<16xi32>,
      %gather3A_126 = tpu.vector_load_idx %arg7[%get3A_125] : memref<100000xf32, #tpu.memory_space<vmem>>[vector<16xi32>], vector<16xf32>,
      %mul3A_127 = arith.constant 16 : i32
      %mul3A_128 = arith.muli %add3A_119, %mul3A_127 : i32
      %swap3A_129 = arith.index_cast %mul3A_128 : i32 to index
      %swap3A_130 = tpu.vector_load %arg9[%swap3A_129] {strides = array<i32>} : memref<8192xf32, #tpu.memory_space<vmem>>, vector<16xf32>,
      tpu.vector_store %arg9[%swap3A_129], %gather3A_126 {strides = array<i32>} : memref<8192xf32, #tpu.memory_space<vmem>>, vector<16xf32>,
      %mul3A_131 = arith.constant 8 : i32
      %mul3A_132 = arith.muli %scan3A_28, %mul3A_131 : i32
      %add3A_133 = arith.constant 7 : i32
      %add3A_134 = arith.addi %mul3A_132, %add3A_133 : i32
      %mul3A_135 = arith.constant 16 : i32
      %mul3A_136 = arith.muli %add3A_134, %mul3A_135 : i32
      %add3A_137 = arith.constant 0 : i32
      %add3A_138 = arith.addi %add3A_137, %mul3A_136 : i32
      %get3A_139 = arith.index_cast %add3A_138 : i32 to index
      %get3A_140 = tpu.vector_load %arg8[%get3A_139] {strides = array<i32>} : memref<16384xi32, #tpu.memory_space<vmem>>, vector<16xi32>,
      %gather3A_141 = tpu.vector_load_idx %arg7[%get3A_140] : memref<100000xf32, #tpu.memory_space<vmem>>[vector<16xi32>], vector<16xf32>,
      %mul3A_142 = arith.constant 16 : i32
      %mul3A_143 = arith.muli %add3A_134, %mul3A_142 : i32
      %swap3A_144 = arith.index_cast %mul3A_143 : i32 to index
      %swap3A_145 = tpu.vector_load %arg9[%swap3A_144] {strides = array<i32>} : memref<8192xf32, #tpu.memory_space<vmem>>, vector<16xf32>,
      tpu.vector_store %arg9[%swap3A_144], %gather3A_141 {strides = array<i32>} : memref<8192xf32, #tpu.memory_space<vmem>>, vector<16xf32>,
    }
    %scan3A_7 = arith.constant 64 : i32
    "tpu.region"() ({
      %run_scoped3A = tpu.sem_alloc : memref<!tpu.dma_semaphore, #tpu.memory_space<semaphore_mem>>
      %dma_start3A = arith.constant 0 : i32
      %dma_start3A_28 = tpu.memref_slice %arg5[%add3A, %dma_start3A] : memref<32x16384xf32, #tpu.memory_space<hbm>> -> memref<1x8192xf32, #tpu.memory_space<hbm>>
      %dma_start3A_29 = tpu.memref_squeeze %dma_start3A_28 : memref<1x8192xf32, #tpu.memory_space<hbm>> -> memref<8192xf32, #tpu.memory_space<hbm>>
      %dma_start3A_30 = arith.constant 0 : i32
      %dma_start3A_31 = tpu.memref_slice %arg5[%add3A, %dma_start3A_30] : memref<32x16384xf32, #tpu.memory_space<hbm>> -> memref<1x8192xf32, #tpu.memory_space<hbm>>
      %dma_start3A_32 = tpu.memref_squeeze %dma_start3A_31 : memref<1x8192xf32, #tpu.memory_space<hbm>> -> memref<8192xf32, #tpu.memory_space<hbm>>
      tpu.enqueue_dma source(%arg9 : memref<8192xf32, #tpu.memory_space<vmem>>) target(%dma_start3A_32 : memref<8192xf32, #tpu.memory_space<hbm>>) target_semaphore(%run_scoped3A : memref<!tpu.dma_semaphore, #tpu.memory_space<semaphore_mem>>)
      %dma_wait3A = arith.constant 0 : i32
      %dma_wait3A_33 = tpu.memref_slice %arg5[%add3A, %dma_wait3A] : memref<32x16384xf32, #tpu.memory_space<hbm>> -> memref<1x8192xf32, #tpu.memory_space<hbm>>
      %dma_wait3A_34 = tpu.memref_squeeze %dma_wait3A_33 : memref<1x8192xf32, #tpu.memory_space<hbm>> -> memref<8192xf32, #tpu.memory_space<hbm>>
      %dma_wait3A_35 = arith.constant 0 : i32
      %dma_wait3A_36 = tpu.memref_slice %arg5[%add3A, %dma_wait3A_35] : memref<32x16384xf32, #tpu.memory_space<hbm>> -> memref<1x8192xf32, #tpu.memory_space<hbm>>
      %dma_wait3A_37 = tpu.memref_squeeze %dma_wait3A_36 : memref<1x8192xf32, #tpu.memory_space<hbm>> -> memref<8192xf32, #tpu.memory_space<hbm>>
      tpu.wait_dma2 semaphore(%run_scoped3A : memref<!tpu.dma_semaphore, #tpu.memory_space<semaphore_mem>>) src(%arg9 : memref<8192xf32, #tpu.memory_space<vmem>>) dst(%dma_wait3A_37 : memref<8192xf32, #tpu.memory_space<hbm>>)
      tpu.yield
    }) : () -> ()
    %scan3A_8 = arith.constant 0 : i32
    %scan3A_9 = arith.constant 0 : i32
    %scan3A_10 = arith.constant 64 : i32
    %scan3A_11 = arith.addi %scan3A_9, %scan3A_10 : i32
    %scan3A_12 = arith.constant 1 : i32
    scf.for %scan3A_28 = %scan3A_9 to %scan3A_11 step %scan3A_12  : i32 {
      %mul3A_29 = arith.constant 8 : i32
      %mul3A_30 = arith.muli %scan3A_28, %mul3A_29 : i32
      %add3A_31 = arith.constant 0 : i32
      %add3A_32 = arith.addi %mul3A_30, %add3A_31 : i32
      %mul3A_33 = arith.constant 16 : i32
      %mul3A_34 = arith.muli %add3A_32, %mul3A_33 : i32
      %add3A_35 = arith.constant 8192 : i32
      %add3A_36 = arith.addi %add3A_35, %mul3A_34 : i32
      %get3A = arith.index_cast %add3A_36 : i32 to index
      %get3A_37 = tpu.vector_load %arg8[%get3A] {strides = array<i32>} : memref<16384xi32, #tpu.memory_space<vmem>>, vector<16xi32>,
      %gather3A = tpu.vector_load_idx %arg7[%get3A_37] : memref<100000xf32, #tpu.memory_space<vmem>>[vector<16xi32>], vector<16xf32>,
      %mul3A_38 = arith.constant 16 : i32
      %mul3A_39 = arith.muli %add3A_32, %mul3A_38 : i32
      %swap3A = arith.index_cast %mul3A_39 : i32 to index
      %swap3A_40 = tpu.vector_load %arg9[%swap3A] {strides = array<i32>} : memref<8192xf32, #tpu.memory_space<vmem>>, vector<16xf32>,
      tpu.vector_store %arg9[%swap3A], %gather3A {strides = array<i32>} : memref<8192xf32, #tpu.memory_space<vmem>>, vector<16xf32>,
      %mul3A_41 = arith.constant 8 : i32
      %mul3A_42 = arith.muli %scan3A_28, %mul3A_41 : i32
      %add3A_43 = arith.constant 1 : i32
      %add3A_44 = arith.addi %mul3A_42, %add3A_43 : i32
      %mul3A_45 = arith.constant 16 : i32
      %mul3A_46 = arith.muli %add3A_44, %mul3A_45 : i32
      %add3A_47 = arith.constant 8192 : i32
      %add3A_48 = arith.addi %add3A_47, %mul3A_46 : i32
      %get3A_49 = arith.index_cast %add3A_48 : i32 to index
      %get3A_50 = tpu.vector_load %arg8[%get3A_49] {strides = array<i32>} : memref<16384xi32, #tpu.memory_space<vmem>>, vector<16xi32>,
      %gather3A_51 = tpu.vector_load_idx %arg7[%get3A_50] : memref<100000xf32, #tpu.memory_space<vmem>>[vector<16xi32>], vector<16xf32>,
      %mul3A_52 = arith.constant 16 : i32
      %mul3A_53 = arith.muli %add3A_44, %mul3A_52 : i32
      %swap3A_54 = arith.index_cast %mul3A_53 : i32 to index
      %swap3A_55 = tpu.vector_load %arg9[%swap3A_54] {strides = array<i32>} : memref<8192xf32, #tpu.memory_space<vmem>>, vector<16xf32>,
      tpu.vector_store %arg9[%swap3A_54], %gather3A_51 {strides = array<i32>} : memref<8192xf32, #tpu.memory_space<vmem>>, vector<16xf32>,
      %mul3A_56 = arith.constant 8 : i32
      %mul3A_57 = arith.muli %scan3A_28, %mul3A_56 : i32
      %add3A_58 = arith.constant 2 : i32
      %add3A_59 = arith.addi %mul3A_57, %add3A_58 : i32
      %mul3A_60 = arith.constant 16 : i32
      %mul3A_61 = arith.muli %add3A_59, %mul3A_60 : i32
      %add3A_62 = arith.constant 8192 : i32
      %add3A_63 = arith.addi %add3A_62, %mul3A_61 : i32
      %get3A_64 = arith.index_cast %add3A_63 : i32 to index
      %get3A_65 = tpu.vector_load %arg8[%get3A_64] {strides = array<i32>} : memref<16384xi32, #tpu.memory_space<vmem>>, vector<16xi32>,
      %gather3A_66 = tpu.vector_load_idx %arg7[%get3A_65] : memref<100000xf32, #tpu.memory_space<vmem>>[vector<16xi32>], vector<16xf32>,
      %mul3A_67 = arith.constant 16 : i32
      %mul3A_68 = arith.muli %add3A_59, %mul3A_67 : i32
      %swap3A_69 = arith.index_cast %mul3A_68 : i32 to index
      %swap3A_70 = tpu.vector_load %arg9[%swap3A_69] {strides = array<i32>} : memref<8192xf32, #tpu.memory_space<vmem>>, vector<16xf32>,
      tpu.vector_store %arg9[%swap3A_69], %gather3A_66 {strides = array<i32>} : memref<8192xf32, #tpu.memory_space<vmem>>, vector<16xf32>,
      %mul3A_71 = arith.constant 8 : i32
      %mul3A_72 = arith.muli %scan3A_28, %mul3A_71 : i32
      %add3A_73 = arith.constant 3 : i32
      %add3A_74 = arith.addi %mul3A_72, %add3A_73 : i32
      %mul3A_75 = arith.constant 16 : i32
      %mul3A_76 = arith.muli %add3A_74, %mul3A_75 : i32
      %add3A_77 = arith.constant 8192 : i32
      %add3A_78 = arith.addi %add3A_77, %mul3A_76 : i32
      %get3A_79 = arith.index_cast %add3A_78 : i32 to index
      %get3A_80 = tpu.vector_load %arg8[%get3A_79] {strides = array<i32>} : memref<16384xi32, #tpu.memory_space<vmem>>, vector<16xi32>,
      %gather3A_81 = tpu.vector_load_idx %arg7[%get3A_80] : memref<100000xf32, #tpu.memory_space<vmem>>[vector<16xi32>], vector<16xf32>,
      %mul3A_82 = arith.constant 16 : i32
      %mul3A_83 = arith.muli %add3A_74, %mul3A_82 : i32
      %swap3A_84 = arith.index_cast %mul3A_83 : i32 to index
      %swap3A_85 = tpu.vector_load %arg9[%swap3A_84] {strides = array<i32>} : memref<8192xf32, #tpu.memory_space<vmem>>, vector<16xf32>,
      tpu.vector_store %arg9[%swap3A_84], %gather3A_81 {strides = array<i32>} : memref<8192xf32, #tpu.memory_space<vmem>>, vector<16xf32>,
      %mul3A_86 = arith.constant 8 : i32
      %mul3A_87 = arith.muli %scan3A_28, %mul3A_86 : i32
      %add3A_88 = arith.constant 4 : i32
      %add3A_89 = arith.addi %mul3A_87, %add3A_88 : i32
      %mul3A_90 = arith.constant 16 : i32
      %mul3A_91 = arith.muli %add3A_89, %mul3A_90 : i32
      %add3A_92 = arith.constant 8192 : i32
      %add3A_93 = arith.addi %add3A_92, %mul3A_91 : i32
      %get3A_94 = arith.index_cast %add3A_93 : i32 to index
      %get3A_95 = tpu.vector_load %arg8[%get3A_94] {strides = array<i32>} : memref<16384xi32, #tpu.memory_space<vmem>>, vector<16xi32>,
      %gather3A_96 = tpu.vector_load_idx %arg7[%get3A_95] : memref<100000xf32, #tpu.memory_space<vmem>>[vector<16xi32>], vector<16xf32>,
      %mul3A_97 = arith.constant 16 : i32
      %mul3A_98 = arith.muli %add3A_89, %mul3A_97 : i32
      %swap3A_99 = arith.index_cast %mul3A_98 : i32 to index
      %swap3A_100 = tpu.vector_load %arg9[%swap3A_99] {strides = array<i32>} : memref<8192xf32, #tpu.memory_space<vmem>>, vector<16xf32>,
      tpu.vector_store %arg9[%swap3A_99], %gather3A_96 {strides = array<i32>} : memref<8192xf32, #tpu.memory_space<vmem>>, vector<16xf32>,
      %mul3A_101 = arith.constant 8 : i32
      %mul3A_102 = arith.muli %scan3A_28, %mul3A_101 : i32
      %add3A_103 = arith.constant 5 : i32
      %add3A_104 = arith.addi %mul3A_102, %add3A_103 : i32
      %mul3A_105 = arith.constant 16 : i32
      %mul3A_106 = arith.muli %add3A_104, %mul3A_105 : i32
      %add3A_107 = arith.constant 8192 : i32
      %add3A_108 = arith.addi %add3A_107, %mul3A_106 : i32
      %get3A_109 = arith.index_cast %add3A_108 : i32 to index
      %get3A_110 = tpu.vector_load %arg8[%get3A_109] {strides = array<i32>} : memref<16384xi32, #tpu.memory_space<vmem>>, vector<16xi32>,
      %gather3A_111 = tpu.vector_load_idx %arg7[%get3A_110] : memref<100000xf32, #tpu.memory_space<vmem>>[vector<16xi32>], vector<16xf32>,
      %mul3A_112 = arith.constant 16 : i32
      %mul3A_113 = arith.muli %add3A_104, %mul3A_112 : i32
      %swap3A_114 = arith.index_cast %mul3A_113 : i32 to index
      %swap3A_115 = tpu.vector_load %arg9[%swap3A_114] {strides = array<i32>} : memref<8192xf32, #tpu.memory_space<vmem>>, vector<16xf32>,
      tpu.vector_store %arg9[%swap3A_114], %gather3A_111 {strides = array<i32>} : memref<8192xf32, #tpu.memory_space<vmem>>, vector<16xf32>,
      %mul3A_116 = arith.constant 8 : i32
      %mul3A_117 = arith.muli %scan3A_28, %mul3A_116 : i32
      %add3A_118 = arith.constant 6 : i32
      %add3A_119 = arith.addi %mul3A_117, %add3A_118 : i32
      %mul3A_120 = arith.constant 16 : i32
      %mul3A_121 = arith.muli %add3A_119, %mul3A_120 : i32
      %add3A_122 = arith.constant 8192 : i32
      %add3A_123 = arith.addi %add3A_122, %mul3A_121 : i32
      %get3A_124 = arith.index_cast %add3A_123 : i32 to index
      %get3A_125 = tpu.vector_load %arg8[%get3A_124] {strides = array<i32>} : memref<16384xi32, #tpu.memory_space<vmem>>, vector<16xi32>,
      %gather3A_126 = tpu.vector_load_idx %arg7[%get3A_125] : memref<100000xf32, #tpu.memory_space<vmem>>[vector<16xi32>], vector<16xf32>,
      %mul3A_127 = arith.constant 16 : i32
      %mul3A_128 = arith.muli %add3A_119, %mul3A_127 : i32
      %swap3A_129 = arith.index_cast %mul3A_128 : i32 to index
      %swap3A_130 = tpu.vector_load %arg9[%swap3A_129] {strides = array<i32>} : memref<8192xf32, #tpu.memory_space<vmem>>, vector<16xf32>,
      tpu.vector_store %arg9[%swap3A_129], %gather3A_126 {strides = array<i32>} : memref<8192xf32, #tpu.memory_space<vmem>>, vector<16xf32>,
      %mul3A_131 = arith.constant 8 : i32
      %mul3A_132 = arith.muli %scan3A_28, %mul3A_131 : i32
      %add3A_133 = arith.constant 7 : i32
      %add3A_134 = arith.addi %mul3A_132, %add3A_133 : i32
      %mul3A_135 = arith.constant 16 : i32
      %mul3A_136 = arith.muli %add3A_134, %mul3A_135 : i32
      %add3A_137 = arith.constant 8192 : i32
      %add3A_138 = arith.addi %add3A_137, %mul3A_136 : i32
      %get3A_139 = arith.index_cast %add3A_138 : i32 to index
      %get3A_140 = tpu.vector_load %arg8[%get3A_139] {strides = array<i32>} : memref<16384xi32, #tpu.memory_space<vmem>>, vector<16xi32>,
      %gather3A_141 = tpu.vector_load_idx %arg7[%get3A_140] : memref<100000xf32, #tpu.memory_space<vmem>>[vector<16xi32>], vector<16xf32>,
      %mul3A_142 = arith.constant 16 : i32
      %mul3A_143 = arith.muli %add3A_134, %mul3A_142 : i32
      %swap3A_144 = arith.index_cast %mul3A_143 : i32 to index
      %swap3A_145 = tpu.vector_load %arg9[%swap3A_144] {strides = array<i32>} : memref<8192xf32, #tpu.memory_space<vmem>>, vector<16xf32>,
      tpu.vector_store %arg9[%swap3A_144], %gather3A_141 {strides = array<i32>} : memref<8192xf32, #tpu.memory_space<vmem>>, vector<16xf32>,
    }
    %scan3A_13 = arith.constant 64 : i32
    "tpu.region"() ({
      %run_scoped3A = tpu.sem_alloc : memref<!tpu.dma_semaphore, #tpu.memory_space<semaphore_mem>>
      %dma_start3A = arith.constant 8192 : i32
      %dma_start3A_28 = tpu.memref_slice %arg5[%add3A, %dma_start3A] : memref<32x16384xf32, #tpu.memory_space<hbm>> -> memref<1x8192xf32, #tpu.memory_space<hbm>>
      %dma_start3A_29 = tpu.memref_squeeze %dma_start3A_28 : memref<1x8192xf32, #tpu.memory_space<hbm>> -> memref<8192xf32, #tpu.memory_space<hbm>>
      %dma_start3A_30 = arith.constant 8192 : i32
      %dma_start3A_31 = tpu.memref_slice %arg5[%add3A, %dma_start3A_30] : memref<32x16384xf32, #tpu.memory_space<hbm>> -> memref<1x8192xf32, #tpu.memory_space<hbm>>
      %dma_start3A_32 = tpu.memref_squeeze %dma_start3A_31 : memref<1x8192xf32, #tpu.memory_space<hbm>> -> memref<8192xf32, #tpu.memory_space<hbm>>
      tpu.enqueue_dma source(%arg9 : memref<8192xf32, #tpu.memory_space<vmem>>) target(%dma_start3A_32 : memref<8192xf32, #tpu.memory_space<hbm>>) target_semaphore(%run_scoped3A : memref<!tpu.dma_semaphore, #tpu.memory_space<semaphore_mem>>)
      %dma_wait3A = arith.constant 8192 : i32
      %dma_wait3A_33 = tpu.memref_slice %arg5[%add3A, %dma_wait3A] : memref<32x16384xf32, #tpu.memory_space<hbm>> -> memref<1x8192xf32, #tpu.memory_space<hbm>>
      %dma_wait3A_34 = tpu.memref_squeeze %dma_wait3A_33 : memref<1x8192xf32, #tpu.memory_space<hbm>> -> memref<8192xf32, #tpu.memory_space<hbm>>
      %dma_wait3A_35 = arith.constant 8192 : i32
      %dma_wait3A_36 = tpu.memref_slice %arg5[%add3A, %dma_wait3A_35] : memref<32x16384xf32, #tpu.memory_space<hbm>> -> memref<1x8192xf32, #tpu.memory_space<hbm>>
      %dma_wait3A_37 = tpu.memref_squeeze %dma_wait3A_36 : memref<1x8192xf32, #tpu.memory_space<hbm>> -> memref<8192xf32, #tpu.memory_space<hbm>>
      tpu.wait_dma2 semaphore(%run_scoped3A : memref<!tpu.dma_semaphore, #tpu.memory_space<semaphore_mem>>) src(%arg9 : memref<8192xf32, #tpu.memory_space<vmem>>) dst(%dma_wait3A_37 : memref<8192xf32, #tpu.memory_space<hbm>>)
      tpu.yield
    }) : () -> ()
    %add3A_14 = arith.constant 0 : i32
    %add3A_15 = arith.addi %add3A_14, %add3A : i32
    "tpu.region"() ({
      %run_scoped3A = tpu.sem_alloc : memref<!tpu.dma_semaphore, #tpu.memory_space<semaphore_mem>>
      %dma_start3A = arith.constant 0 : i32
      %dma_start3A_28 = tpu.memref_slice %arg3[%add3A_15, %dma_start3A] : memref<64x100000xf32, #tpu.memory_space<hbm>> -> memref<1x100000xf32, #tpu.memory_space<hbm>>
      %dma_start3A_29 = tpu.memref_squeeze %dma_start3A_28 : memref<1x100000xf32, #tpu.memory_space<hbm>> -> memref<100000xf32, #tpu.memory_space<hbm>>
      %dma_start3A_30 = arith.constant 0 : i32
      %dma_start3A_31 = tpu.memref_slice %arg3[%add3A_15, %dma_start3A_30] : memref<64x100000xf32, #tpu.memory_space<hbm>> -> memref<1x100000xf32, #tpu.memory_space<hbm>>
      %dma_start3A_32 = tpu.memref_squeeze %dma_start3A_31 : memref<1x100000xf32, #tpu.memory_space<hbm>> -> memref<100000xf32, #tpu.memory_space<hbm>>
      tpu.enqueue_dma source(%dma_start3A_32 : memref<100000xf32, #tpu.memory_space<hbm>>) target(%arg7 : memref<100000xf32, #tpu.memory_space<vmem>>) target_semaphore(%run_scoped3A : memref<!tpu.dma_semaphore, #tpu.memory_space<semaphore_mem>>)
      %dma_wait3A = arith.constant 0 : i32
      %dma_wait3A_33 = tpu.memref_slice %arg3[%add3A_15, %dma_wait3A] : memref<64x100000xf32, #tpu.memory_space<hbm>> -> memref<1x100000xf32, #tpu.memory_space<hbm>>
      %dma_wait3A_34 = tpu.memref_squeeze %dma_wait3A_33 : memref<1x100000xf32, #tpu.memory_space<hbm>> -> memref<100000xf32, #tpu.memory_space<hbm>>
      %dma_wait3A_35 = arith.constant 0 : i32
      %dma_wait3A_36 = tpu.memref_slice %arg3[%add3A_15, %dma_wait3A_35] : memref<64x100000xf32, #tpu.memory_space<hbm>> -> memref<1x100000xf32, #tpu.memory_space<hbm>>
      %dma_wait3A_37 = tpu.memref_squeeze %dma_wait3A_36 : memref<1x100000xf32, #tpu.memory_space<hbm>> -> memref<100000xf32, #tpu.memory_space<hbm>>
      tpu.wait_dma2 semaphore(%run_scoped3A : memref<!tpu.dma_semaphore, #tpu.memory_space<semaphore_mem>>) src(%dma_wait3A_37 : memref<100000xf32, #tpu.memory_space<hbm>>) dst(%arg7 : memref<100000xf32, #tpu.memory_space<vmem>>)
      tpu.yield
    }) : () -> ()
    %scan3A_16 = arith.constant 0 : i32
    %scan3A_17 = arith.constant 0 : i32
    %scan3A_18 = arith.constant 64 : i32
    %scan3A_19 = arith.addi %scan3A_17, %scan3A_18 : i32
    %scan3A_20 = arith.constant 1 : i32
    scf.for %scan3A_28 = %scan3A_17 to %scan3A_19 step %scan3A_20  : i32 {
      %mul3A_29 = arith.constant 8 : i32
      %mul3A_30 = arith.muli %scan3A_28, %mul3A_29 : i32
      %add3A_31 = arith.constant 0 : i32
      %add3A_32 = arith.addi %mul3A_30, %add3A_31 : i32
      %mul3A_33 = arith.constant 16 : i32
      %mul3A_34 = arith.muli %add3A_32, %mul3A_33 : i32
      %add3A_35 = arith.constant 0 : i32
      %add3A_36 = arith.addi %add3A_35, %mul3A_34 : i32
      %get3A = arith.index_cast %add3A_36 : i32 to index
      %get3A_37 = tpu.vector_load %arg8[%get3A] {strides = array<i32>} : memref<16384xi32, #tpu.memory_space<vmem>>, vector<16xi32>,
      %gather3A = tpu.vector_load_idx %arg7[%get3A_37] : memref<100000xf32, #tpu.memory_space<vmem>>[vector<16xi32>], vector<16xf32>,
      %mul3A_38 = arith.constant 16 : i32
      %mul3A_39 = arith.muli %add3A_32, %mul3A_38 : i32
      %swap3A = arith.index_cast %mul3A_39 : i32 to index
      %swap3A_40 = tpu.vector_load %arg9[%swap3A] {strides = array<i32>} : memref<8192xf32, #tpu.memory_space<vmem>>, vector<16xf32>,
      tpu.vector_store %arg9[%swap3A], %gather3A {strides = array<i32>} : memref<8192xf32, #tpu.memory_space<vmem>>, vector<16xf32>,
      %mul3A_41 = arith.constant 8 : i32
      %mul3A_42 = arith.muli %scan3A_28, %mul3A_41 : i32
      %add3A_43 = arith.constant 1 : i32
      %add3A_44 = arith.addi %mul3A_42, %add3A_43 : i32
      %mul3A_45 = arith.constant 16 : i32
      %mul3A_46 = arith.muli %add3A_44, %mul3A_45 : i32
      %add3A_47 = arith.constant 0 : i32
      %add3A_48 = arith.addi %add3A_47, %mul3A_46 : i32
      %get3A_49 = arith.index_cast %add3A_48 : i32 to index
      %get3A_50 = tpu.vector_load %arg8[%get3A_49] {strides = array<i32>} : memref<16384xi32, #tpu.memory_space<vmem>>, vector<16xi32>,
      %gather3A_51 = tpu.vector_load_idx %arg7[%get3A_50] : memref<100000xf32, #tpu.memory_space<vmem>>[vector<16xi32>], vector<16xf32>,
      %mul3A_52 = arith.constant 16 : i32
      %mul3A_53 = arith.muli %add3A_44, %mul3A_52 : i32
      %swap3A_54 = arith.index_cast %mul3A_53 : i32 to index
      %swap3A_55 = tpu.vector_load %arg9[%swap3A_54] {strides = array<i32>} : memref<8192xf32, #tpu.memory_space<vmem>>, vector<16xf32>,
      tpu.vector_store %arg9[%swap3A_54], %gather3A_51 {strides = array<i32>} : memref<8192xf32, #tpu.memory_space<vmem>>, vector<16xf32>,
      %mul3A_56 = arith.constant 8 : i32
      %mul3A_57 = arith.muli %scan3A_28, %mul3A_56 : i32
      %add3A_58 = arith.constant 2 : i32
      %add3A_59 = arith.addi %mul3A_57, %add3A_58 : i32
      %mul3A_60 = arith.constant 16 : i32
      %mul3A_61 = arith.muli %add3A_59, %mul3A_60 : i32
      %add3A_62 = arith.constant 0 : i32
      %add3A_63 = arith.addi %add3A_62, %mul3A_61 : i32
      %get3A_64 = arith.index_cast %add3A_63 : i32 to index
      %get3A_65 = tpu.vector_load %arg8[%get3A_64] {strides = array<i32>} : memref<16384xi32, #tpu.memory_space<vmem>>, vector<16xi32>,
      %gather3A_66 = tpu.vector_load_idx %arg7[%get3A_65] : memref<100000xf32, #tpu.memory_space<vmem>>[vector<16xi32>], vector<16xf32>,
      %mul3A_67 = arith.constant 16 : i32
      %mul3A_68 = arith.muli %add3A_59, %mul3A_67 : i32
      %swap3A_69 = arith.index_cast %mul3A_68 : i32 to index
      %swap3A_70 = tpu.vector_load %arg9[%swap3A_69] {strides = array<i32>} : memref<8192xf32, #tpu.memory_space<vmem>>, vector<16xf32>,
      tpu.vector_store %arg9[%swap3A_69], %gather3A_66 {strides = array<i32>} : memref<8192xf32, #tpu.memory_space<vmem>>, vector<16xf32>,
      %mul3A_71 = arith.constant 8 : i32
      %mul3A_72 = arith.muli %scan3A_28, %mul3A_71 : i32
      %add3A_73 = arith.constant 3 : i32
      %add3A_74 = arith.addi %mul3A_72, %add3A_73 : i32
      %mul3A_75 = arith.constant 16 : i32
      %mul3A_76 = arith.muli %add3A_74, %mul3A_75 : i32
      %add3A_77 = arith.constant 0 : i32
      %add3A_78 = arith.addi %add3A_77, %mul3A_76 : i32
      %get3A_79 = arith.index_cast %add3A_78 : i32 to index
      %get3A_80 = tpu.vector_load %arg8[%get3A_79] {strides = array<i32>} : memref<16384xi32, #tpu.memory_space<vmem>>, vector<16xi32>,
      %gather3A_81 = tpu.vector_load_idx %arg7[%get3A_80] : memref<100000xf32, #tpu.memory_space<vmem>>[vector<16xi32>], vector<16xf32>,
      %mul3A_82 = arith.constant 16 : i32
      %mul3A_83 = arith.muli %add3A_74, %mul3A_82 : i32
      %swap3A_84 = arith.index_cast %mul3A_83 : i32 to index
      %swap3A_85 = tpu.vector_load %arg9[%swap3A_84] {strides = array<i32>} : memref<8192xf32, #tpu.memory_space<vmem>>, vector<16xf32>,
      tpu.vector_store %arg9[%swap3A_84], %gather3A_81 {strides = array<i32>} : memref<8192xf32, #tpu.memory_space<vmem>>, vector<16xf32>,
      %mul3A_86 = arith.constant 8 : i32
      %mul3A_87 = arith.muli %scan3A_28, %mul3A_86 : i32
      %add3A_88 = arith.constant 4 : i32
      %add3A_89 = arith.addi %mul3A_87, %add3A_88 : i32
      %mul3A_90 = arith.constant 16 : i32
      %mul3A_91 = arith.muli %add3A_89, %mul3A_90 : i32
      %add3A_92 = arith.constant 0 : i32
      %add3A_93 = arith.addi %add3A_92, %mul3A_91 : i32
      %get3A_94 = arith.index_cast %add3A_93 : i32 to index
      %get3A_95 = tpu.vector_load %arg8[%get3A_94] {strides = array<i32>} : memref<16384xi32, #tpu.memory_space<vmem>>, vector<16xi32>,
      %gather3A_96 = tpu.vector_load_idx %arg7[%get3A_95] : memref<100000xf32, #tpu.memory_space<vmem>>[vector<16xi32>], vector<16xf32>,
      %mul3A_97 = arith.constant 16 : i32
      %mul3A_98 = arith.muli %add3A_89, %mul3A_97 : i32
      %swap3A_99 = arith.index_cast %mul3A_98 : i32 to index
      %swap3A_100 = tpu.vector_load %arg9[%swap3A_99] {strides = array<i32>} : memref<8192xf32, #tpu.memory_space<vmem>>, vector<16xf32>,
      tpu.vector_store %arg9[%swap3A_99], %gather3A_96 {strides = array<i32>} : memref<8192xf32, #tpu.memory_space<vmem>>, vector<16xf32>,
      %mul3A_101 = arith.constant 8 : i32
      %mul3A_102 = arith.muli %scan3A_28, %mul3A_101 : i32
      %add3A_103 = arith.constant 5 : i32
      %add3A_104 = arith.addi %mul3A_102, %add3A_103 : i32
      %mul3A_105 = arith.constant 16 : i32
      %mul3A_106 = arith.muli %add3A_104, %mul3A_105 : i32
      %add3A_107 = arith.constant 0 : i32
      %add3A_108 = arith.addi %add3A_107, %mul3A_106 : i32
      %get3A_109 = arith.index_cast %add3A_108 : i32 to index
      %get3A_110 = tpu.vector_load %arg8[%get3A_109] {strides = array<i32>} : memref<16384xi32, #tpu.memory_space<vmem>>, vector<16xi32>,
      %gather3A_111 = tpu.vector_load_idx %arg7[%get3A_110] : memref<100000xf32, #tpu.memory_space<vmem>>[vector<16xi32>], vector<16xf32>,
      %mul3A_112 = arith.constant 16 : i32
      %mul3A_113 = arith.muli %add3A_104, %mul3A_112 : i32
      %swap3A_114 = arith.index_cast %mul3A_113 : i32 to index
      %swap3A_115 = tpu.vector_load %arg9[%swap3A_114] {strides = array<i32>} : memref<8192xf32, #tpu.memory_space<vmem>>, vector<16xf32>,
      tpu.vector_store %arg9[%swap3A_114], %gather3A_111 {strides = array<i32>} : memref<8192xf32, #tpu.memory_space<vmem>>, vector<16xf32>,
      %mul3A_116 = arith.constant 8 : i32
      %mul3A_117 = arith.muli %scan3A_28, %mul3A_116 : i32
      %add3A_118 = arith.constant 6 : i32
      %add3A_119 = arith.addi %mul3A_117, %add3A_118 : i32
      %mul3A_120 = arith.constant 16 : i32
      %mul3A_121 = arith.muli %add3A_119, %mul3A_120 : i32
      %add3A_122 = arith.constant 0 : i32
      %add3A_123 = arith.addi %add3A_122, %mul3A_121 : i32
      %get3A_124 = arith.index_cast %add3A_123 : i32 to index
      %get3A_125 = tpu.vector_load %arg8[%get3A_124] {strides = array<i32>} : memref<16384xi32, #tpu.memory_space<vmem>>, vector<16xi32>,
      %gather3A_126 = tpu.vector_load_idx %arg7[%get3A_125] : memref<100000xf32, #tpu.memory_space<vmem>>[vector<16xi32>], vector<16xf32>,
      %mul3A_127 = arith.constant 16 : i32
      %mul3A_128 = arith.muli %add3A_119, %mul3A_127 : i32
      %swap3A_129 = arith.index_cast %mul3A_128 : i32 to index
      %swap3A_130 = tpu.vector_load %arg9[%swap3A_129] {strides = array<i32>} : memref<8192xf32, #tpu.memory_space<vmem>>, vector<16xf32>,
      tpu.vector_store %arg9[%swap3A_129], %gather3A_126 {strides = array<i32>} : memref<8192xf32, #tpu.memory_space<vmem>>, vector<16xf32>,
      %mul3A_131 = arith.constant 8 : i32
      %mul3A_132 = arith.muli %scan3A_28, %mul3A_131 : i32
      %add3A_133 = arith.constant 7 : i32
      %add3A_134 = arith.addi %mul3A_132, %add3A_133 : i32
      %mul3A_135 = arith.constant 16 : i32
      %mul3A_136 = arith.muli %add3A_134, %mul3A_135 : i32
      %add3A_137 = arith.constant 0 : i32
      %add3A_138 = arith.addi %add3A_137, %mul3A_136 : i32
      %get3A_139 = arith.index_cast %add3A_138 : i32 to index
      %get3A_140 = tpu.vector_load %arg8[%get3A_139] {strides = array<i32>} : memref<16384xi32, #tpu.memory_space<vmem>>, vector<16xi32>,
      %gather3A_141 = tpu.vector_load_idx %arg7[%get3A_140] : memref<100000xf32, #tpu.memory_space<vmem>>[vector<16xi32>], vector<16xf32>,
      %mul3A_142 = arith.constant 16 : i32
      %mul3A_143 = arith.muli %add3A_134, %mul3A_142 : i32
      %swap3A_144 = arith.index_cast %mul3A_143 : i32 to index
      %swap3A_145 = tpu.vector_load %arg9[%swap3A_144] {strides = array<i32>} : memref<8192xf32, #tpu.memory_space<vmem>>, vector<16xf32>,
      tpu.vector_store %arg9[%swap3A_144], %gather3A_141 {strides = array<i32>} : memref<8192xf32, #tpu.memory_space<vmem>>, vector<16xf32>,
    }
    %scan3A_21 = arith.constant 64 : i32
    "tpu.region"() ({
      %run_scoped3A = tpu.sem_alloc : memref<!tpu.dma_semaphore, #tpu.memory_space<semaphore_mem>>
      %dma_start3A = arith.constant 0 : i32
      %dma_start3A_28 = tpu.memref_slice %arg6[%add3A, %dma_start3A] : memref<32x16384xf32, #tpu.memory_space<hbm>> -> memref<1x8192xf32, #tpu.memory_space<hbm>>
      %dma_start3A_29 = tpu.memref_squeeze %dma_start3A_28 : memref<1x8192xf32, #tpu.memory_space<hbm>> -> memref<8192xf32, #tpu.memory_space<hbm>>
      %dma_start3A_30 = arith.constant 0 : i32
      %dma_start3A_31 = tpu.memref_slice %arg6[%add3A, %dma_start3A_30] : memref<32x16384xf32, #tpu.memory_space<hbm>> -> memref<1x8192xf32, #tpu.memory_space<hbm>>
      %dma_start3A_32 = tpu.memref_squeeze %dma_start3A_31 : memref<1x8192xf32, #tpu.memory_space<hbm>> -> memref<8192xf32, #tpu.memory_space<hbm>>
      tpu.enqueue_dma source(%arg9 : memref<8192xf32, #tpu.memory_space<vmem>>) target(%dma_start3A_32 : memref<8192xf32, #tpu.memory_space<hbm>>) target_semaphore(%run_scoped3A : memref<!tpu.dma_semaphore, #tpu.memory_space<semaphore_mem>>)
      %dma_wait3A = arith.constant 0 : i32
      %dma_wait3A_33 = tpu.memref_slice %arg6[%add3A, %dma_wait3A] : memref<32x16384xf32, #tpu.memory_space<hbm>> -> memref<1x8192xf32, #tpu.memory_space<hbm>>
      %dma_wait3A_34 = tpu.memref_squeeze %dma_wait3A_33 : memref<1x8192xf32, #tpu.memory_space<hbm>> -> memref<8192xf32, #tpu.memory_space<hbm>>
      %dma_wait3A_35 = arith.constant 0 : i32
      %dma_wait3A_36 = tpu.memref_slice %arg6[%add3A, %dma_wait3A_35] : memref<32x16384xf32, #tpu.memory_space<hbm>> -> memref<1x8192xf32, #tpu.memory_space<hbm>>
      %dma_wait3A_37 = tpu.memref_squeeze %dma_wait3A_36 : memref<1x8192xf32, #tpu.memory_space<hbm>> -> memref<8192xf32, #tpu.memory_space<hbm>>
      tpu.wait_dma2 semaphore(%run_scoped3A : memref<!tpu.dma_semaphore, #tpu.memory_space<semaphore_mem>>) src(%arg9 : memref<8192xf32, #tpu.memory_space<vmem>>) dst(%dma_wait3A_37 : memref<8192xf32, #tpu.memory_space<hbm>>)
      tpu.yield
    }) : () -> ()
    %scan3A_22 = arith.constant 0 : i32
    %scan3A_23 = arith.constant 0 : i32
    %scan3A_24 = arith.constant 64 : i32
    %scan3A_25 = arith.addi %scan3A_23, %scan3A_24 : i32
    %scan3A_26 = arith.constant 1 : i32
    scf.for %scan3A_28 = %scan3A_23 to %scan3A_25 step %scan3A_26  : i32 {
      %mul3A_29 = arith.constant 8 : i32
      %mul3A_30 = arith.muli %scan3A_28, %mul3A_29 : i32
      %add3A_31 = arith.constant 0 : i32
      %add3A_32 = arith.addi %mul3A_30, %add3A_31 : i32
      %mul3A_33 = arith.constant 16 : i32
      %mul3A_34 = arith.muli %add3A_32, %mul3A_33 : i32
      %add3A_35 = arith.constant 8192 : i32
      %add3A_36 = arith.addi %add3A_35, %mul3A_34 : i32
      %get3A = arith.index_cast %add3A_36 : i32 to index
      %get3A_37 = tpu.vector_load %arg8[%get3A] {strides = array<i32>} : memref<16384xi32, #tpu.memory_space<vmem>>, vector<16xi32>,
      %gather3A = tpu.vector_load_idx %arg7[%get3A_37] : memref<100000xf32, #tpu.memory_space<vmem>>[vector<16xi32>], vector<16xf32>,
      %mul3A_38 = arith.constant 16 : i32
      %mul3A_39 = arith.muli %add3A_32, %mul3A_38 : i32
      %swap3A = arith.index_cast %mul3A_39 : i32 to index
      %swap3A_40 = tpu.vector_load %arg9[%swap3A] {strides = array<i32>} : memref<8192xf32, #tpu.memory_space<vmem>>, vector<16xf32>,
      tpu.vector_store %arg9[%swap3A], %gather3A {strides = array<i32>} : memref<8192xf32, #tpu.memory_space<vmem>>, vector<16xf32>,
      %mul3A_41 = arith.constant 8 : i32
      %mul3A_42 = arith.muli %scan3A_28, %mul3A_41 : i32
      %add3A_43 = arith.constant 1 : i32
      %add3A_44 = arith.addi %mul3A_42, %add3A_43 : i32
      %mul3A_45 = arith.constant 16 : i32
      %mul3A_46 = arith.muli %add3A_44, %mul3A_45 : i32
      %add3A_47 = arith.constant 8192 : i32
      %add3A_48 = arith.addi %add3A_47, %mul3A_46 : i32
      %get3A_49 = arith.index_cast %add3A_48 : i32 to index
      %get3A_50 = tpu.vector_load %arg8[%get3A_49] {strides = array<i32>} : memref<16384xi32, #tpu.memory_space<vmem>>, vector<16xi32>,
      %gather3A_51 = tpu.vector_load_idx %arg7[%get3A_50] : memref<100000xf32, #tpu.memory_space<vmem>>[vector<16xi32>], vector<16xf32>,
      %mul3A_52 = arith.constant 16 : i32
      %mul3A_53 = arith.muli %add3A_44, %mul3A_52 : i32
      %swap3A_54 = arith.index_cast %mul3A_53 : i32 to index
      %swap3A_55 = tpu.vector_load %arg9[%swap3A_54] {strides = array<i32>} : memref<8192xf32, #tpu.memory_space<vmem>>, vector<16xf32>,
      tpu.vector_store %arg9[%swap3A_54], %gather3A_51 {strides = array<i32>} : memref<8192xf32, #tpu.memory_space<vmem>>, vector<16xf32>,
      %mul3A_56 = arith.constant 8 : i32
      %mul3A_57 = arith.muli %scan3A_28, %mul3A_56 : i32
      %add3A_58 = arith.constant 2 : i32
      %add3A_59 = arith.addi %mul3A_57, %add3A_58 : i32
      %mul3A_60 = arith.constant 16 : i32
      %mul3A_61 = arith.muli %add3A_59, %mul3A_60 : i32
      %add3A_62 = arith.constant 8192 : i32
      %add3A_63 = arith.addi %add3A_62, %mul3A_61 : i32
      %get3A_64 = arith.index_cast %add3A_63 : i32 to index
      %get3A_65 = tpu.vector_load %arg8[%get3A_64] {strides = array<i32>} : memref<16384xi32, #tpu.memory_space<vmem>>, vector<16xi32>,
      %gather3A_66 = tpu.vector_load_idx %arg7[%get3A_65] : memref<100000xf32, #tpu.memory_space<vmem>>[vector<16xi32>], vector<16xf32>,
      %mul3A_67 = arith.constant 16 : i32
      %mul3A_68 = arith.muli %add3A_59, %mul3A_67 : i32
      %swap3A_69 = arith.index_cast %mul3A_68 : i32 to index
      %swap3A_70 = tpu.vector_load %arg9[%swap3A_69] {strides = array<i32>} : memref<8192xf32, #tpu.memory_space<vmem>>, vector<16xf32>,
      tpu.vector_store %arg9[%swap3A_69], %gather3A_66 {strides = array<i32>} : memref<8192xf32, #tpu.memory_space<vmem>>, vector<16xf32>,
      %mul3A_71 = arith.constant 8 : i32
      %mul3A_72 = arith.muli %scan3A_28, %mul3A_71 : i32
      %add3A_73 = arith.constant 3 : i32
      %add3A_74 = arith.addi %mul3A_72, %add3A_73 : i32
      %mul3A_75 = arith.constant 16 : i32
      %mul3A_76 = arith.muli %add3A_74, %mul3A_75 : i32
      %add3A_77 = arith.constant 8192 : i32
      %add3A_78 = arith.addi %add3A_77, %mul3A_76 : i32
      %get3A_79 = arith.index_cast %add3A_78 : i32 to index
      %get3A_80 = tpu.vector_load %arg8[%get3A_79] {strides = array<i32>} : memref<16384xi32, #tpu.memory_space<vmem>>, vector<16xi32>,
      %gather3A_81 = tpu.vector_load_idx %arg7[%get3A_80] : memref<100000xf32, #tpu.memory_space<vmem>>[vector<16xi32>], vector<16xf32>,
      %mul3A_82 = arith.constant 16 : i32
      %mul3A_83 = arith.muli %add3A_74, %mul3A_82 : i32
      %swap3A_84 = arith.index_cast %mul3A_83 : i32 to index
      %swap3A_85 = tpu.vector_load %arg9[%swap3A_84] {strides = array<i32>} : memref<8192xf32, #tpu.memory_space<vmem>>, vector<16xf32>,
      tpu.vector_store %arg9[%swap3A_84], %gather3A_81 {strides = array<i32>} : memref<8192xf32, #tpu.memory_space<vmem>>, vector<16xf32>,
      %mul3A_86 = arith.constant 8 : i32
      %mul3A_87 = arith.muli %scan3A_28, %mul3A_86 : i32
      %add3A_88 = arith.constant 4 : i32
      %add3A_89 = arith.addi %mul3A_87, %add3A_88 : i32
      %mul3A_90 = arith.constant 16 : i32
      %mul3A_91 = arith.muli %add3A_89, %mul3A_90 : i32
      %add3A_92 = arith.constant 8192 : i32
      %add3A_93 = arith.addi %add3A_92, %mul3A_91 : i32
      %get3A_94 = arith.index_cast %add3A_93 : i32 to index
      %get3A_95 = tpu.vector_load %arg8[%get3A_94] {strides = array<i32>} : memref<16384xi32, #tpu.memory_space<vmem>>, vector<16xi32>,
      %gather3A_96 = tpu.vector_load_idx %arg7[%get3A_95] : memref<100000xf32, #tpu.memory_space<vmem>>[vector<16xi32>], vector<16xf32>,
      %mul3A_97 = arith.constant 16 : i32
      %mul3A_98 = arith.muli %add3A_89, %mul3A_97 : i32
      %swap3A_99 = arith.index_cast %mul3A_98 : i32 to index
      %swap3A_100 = tpu.vector_load %arg9[%swap3A_99] {strides = array<i32>} : memref<8192xf32, #tpu.memory_space<vmem>>, vector<16xf32>,
      tpu.vector_store %arg9[%swap3A_99], %gather3A_96 {strides = array<i32>} : memref<8192xf32, #tpu.memory_space<vmem>>, vector<16xf32>,
      %mul3A_101 = arith.constant 8 : i32
      %mul3A_102 = arith.muli %scan3A_28, %mul3A_101 : i32
      %add3A_103 = arith.constant 5 : i32
      %add3A_104 = arith.addi %mul3A_102, %add3A_103 : i32
      %mul3A_105 = arith.constant 16 : i32
      %mul3A_106 = arith.muli %add3A_104, %mul3A_105 : i32
      %add3A_107 = arith.constant 8192 : i32
      %add3A_108 = arith.addi %add3A_107, %mul3A_106 : i32
      %get3A_109 = arith.index_cast %add3A_108 : i32 to index
      %get3A_110 = tpu.vector_load %arg8[%get3A_109] {strides = array<i32>} : memref<16384xi32, #tpu.memory_space<vmem>>, vector<16xi32>,
      %gather3A_111 = tpu.vector_load_idx %arg7[%get3A_110] : memref<100000xf32, #tpu.memory_space<vmem>>[vector<16xi32>], vector<16xf32>,
      %mul3A_112 = arith.constant 16 : i32
      %mul3A_113 = arith.muli %add3A_104, %mul3A_112 : i32
      %swap3A_114 = arith.index_cast %mul3A_113 : i32 to index
      %swap3A_115 = tpu.vector_load %arg9[%swap3A_114] {strides = array<i32>} : memref<8192xf32, #tpu.memory_space<vmem>>, vector<16xf32>,
      tpu.vector_store %arg9[%swap3A_114], %gather3A_111 {strides = array<i32>} : memref<8192xf32, #tpu.memory_space<vmem>>, vector<16xf32>,
      %mul3A_116 = arith.constant 8 : i32
      %mul3A_117 = arith.muli %scan3A_28, %mul3A_116 : i32
      %add3A_118 = arith.constant 6 : i32
      %add3A_119 = arith.addi %mul3A_117, %add3A_118 : i32
      %mul3A_120 = arith.constant 16 : i32
      %mul3A_121 = arith.muli %add3A_119, %mul3A_120 : i32
      %add3A_122 = arith.constant 8192 : i32
      %add3A_123 = arith.addi %add3A_122, %mul3A_121 : i32
      %get3A_124 = arith.index_cast %add3A_123 : i32 to index
      %get3A_125 = tpu.vector_load %arg8[%get3A_124] {strides = array<i32>} : memref<16384xi32, #tpu.memory_space<vmem>>, vector<16xi32>,
      %gather3A_126 = tpu.vector_load_idx %arg7[%get3A_125] : memref<100000xf32, #tpu.memory_space<vmem>>[vector<16xi32>], vector<16xf32>,
      %mul3A_127 = arith.constant 16 : i32
      %mul3A_128 = arith.muli %add3A_119, %mul3A_127 : i32
      %swap3A_129 = arith.index_cast %mul3A_128 : i32 to index
      %swap3A_130 = tpu.vector_load %arg9[%swap3A_129] {strides = array<i32>} : memref<8192xf32, #tpu.memory_space<vmem>>, vector<16xf32>,
      tpu.vector_store %arg9[%swap3A_129], %gather3A_126 {strides = array<i32>} : memref<8192xf32, #tpu.memory_space<vmem>>, vector<16xf32>,
      %mul3A_131 = arith.constant 8 : i32
      %mul3A_132 = arith.muli %scan3A_28, %mul3A_131 : i32
      %add3A_133 = arith.constant 7 : i32
      %add3A_134 = arith.addi %mul3A_132, %add3A_133 : i32
      %mul3A_135 = arith.constant 16 : i32
      %mul3A_136 = arith.muli %add3A_134, %mul3A_135 : i32
      %add3A_137 = arith.constant 8192 : i32
      %add3A_138 = arith.addi %add3A_137, %mul3A_136 : i32
      %get3A_139 = arith.index_cast %add3A_138 : i32 to index
      %get3A_140 = tpu.vector_load %arg8[%get3A_139] {strides = array<i32>} : memref<16384xi32, #tpu.memory_space<vmem>>, vector<16xi32>,
      %gather3A_141 = tpu.vector_load_idx %arg7[%get3A_140] : memref<100000xf32, #tpu.memory_space<vmem>>[vector<16xi32>], vector<16xf32>,
      %mul3A_142 = arith.constant 16 : i32
      %mul3A_143 = arith.muli %add3A_134, %mul3A_142 : i32
      %swap3A_144 = arith.index_cast %mul3A_143 : i32 to index
      %swap3A_145 = tpu.vector_load %arg9[%swap3A_144] {strides = array<i32>} : memref<8192xf32, #tpu.memory_space<vmem>>, vector<16xf32>,
      tpu.vector_store %arg9[%swap3A_144], %gather3A_141 {strides = array<i32>} : memref<8192xf32, #tpu.memory_space<vmem>>, vector<16xf32>,
    }
    %scan3A_27 = arith.constant 64 : i32
    "tpu.region"() ({
      %run_scoped3A = tpu.sem_alloc : memref<!tpu.dma_semaphore, #tpu.memory_space<semaphore_mem>>
      %dma_start3A = arith.constant 8192 : i32
      %dma_start3A_28 = tpu.memref_slice %arg6[%add3A, %dma_start3A] : memref<32x16384xf32, #tpu.memory_space<hbm>> -> memref<1x8192xf32, #tpu.memory_space<hbm>>
      %dma_start3A_29 = tpu.memref_squeeze %dma_start3A_28 : memref<1x8192xf32, #tpu.memory_space<hbm>> -> memref<8192xf32, #tpu.memory_space<hbm>>
      %dma_start3A_30 = arith.constant 8192 : i32
      %dma_start3A_31 = tpu.memref_slice %arg6[%add3A, %dma_start3A_30] : memref<32x16384xf32, #tpu.memory_space<hbm>> -> memref<1x8192xf32, #tpu.memory_space<hbm>>
      %dma_start3A_32 = tpu.memref_squeeze %dma_start3A_31 : memref<1x8192xf32, #tpu.memory_space<hbm>> -> memref<8192xf32, #tpu.memory_space<hbm>>
      tpu.enqueue_dma source(%arg9 : memref<8192xf32, #tpu.memory_space<vmem>>) target(%dma_start3A_32 : memref<8192xf32, #tpu.memory_space<hbm>>) target_semaphore(%run_scoped3A : memref<!tpu.dma_semaphore, #tpu.memory_space<semaphore_mem>>)
      %dma_wait3A = arith.constant 8192 : i32
      %dma_wait3A_33 = tpu.memref_slice %arg6[%add3A, %dma_wait3A] : memref<32x16384xf32, #tpu.memory_space<hbm>> -> memref<1x8192xf32, #tpu.memory_space<hbm>>
      %dma_wait3A_34 = tpu.memref_squeeze %dma_wait3A_33 : memref<1x8192xf32, #tpu.memory_space<hbm>> -> memref<8192xf32, #tpu.memory_space<hbm>>
      %dma_wait3A_35 = arith.constant 8192 : i32
      %dma_wait3A_36 = tpu.memref_slice %arg6[%add3A, %dma_wait3A_35] : memref<32x16384xf32, #tpu.memory_space<hbm>> -> memref<1x8192xf32, #tpu.memory_space<hbm>>
      %dma_wait3A_37 = tpu.memref_squeeze %dma_wait3A_36 : memref<1x8192xf32, #tpu.memory_space<hbm>> -> memref<8192xf32, #tpu.memory_space<hbm>>
      tpu.wait_dma2 semaphore(%run_scoped3A : memref<!tpu.dma_semaphore, #tpu.memory_space<semaphore_mem>>) src(%arg9 : memref<8192xf32, #tpu.memory_space<vmem>>) dst(%dma_wait3A_37 : memref<8192xf32, #tpu.memory_space<hbm>>)
      tpu.yield
    }) : () -> ()
    return
  }
}

module attributes {stable_mosaic.version = 14 : i64} {
  func.func @body(%arg0: i32, %arg1: memref<4x64x16384xf32, #tpu.memory_space<hbm>>, %arg2: memref<4x32x4096xf32, #tpu.memory_space<vmem>>, %arg3: memref<32x4096xf32, #tpu.memory_space<vmem>>, %arg4: memref<32x4096xf32, #tpu.memory_space<vmem>>, %arg5: memref<4x32x4096xf32, #tpu.memory_space<vmem>>) attributes {dimension_semantics = [#tpu.dimension_semantics<arbitrary>], iteration_bounds = array<i64: 4>, scalar_prefetch = 0 : i64, scratch_operands = 0 : i64, tpu.core_type = #tpu.core_type<tc>, window_params = [{}, {transform_indices = @transform_1, window_bounds = array<i64: 4, 32, 4096>}, {transform_indices = @transform_2, window_bounds = array<i64: 32, 4096>}, {transform_indices = @transform_3, window_bounds = array<i64: 32, 4096>}, {transform_indices = @transform_4, window_bounds = array<i64: 4, 32, 4096>}]} {
    %get3A = arith.constant 0 : index
    %get3A_0 = arith.constant 0 : index
    %get3A_1 = arith.constant 0 : index
    %get3A_2 = vector.load %arg2[%get3A, %get3A_0, %get3A_1] : memref<4x32x4096xf32, #tpu.memory_space<vmem>>, vector<4x32x4096xf32>
    %get3A_3 = arith.constant 0 : index
    %get3A_4 = arith.constant 0 : index
    %get3A_5 = vector.load %arg3[%get3A_3, %get3A_4] : memref<32x4096xf32, #tpu.memory_space<vmem>>, vector<32x4096xf32>
    %broadcast_in_dim3A = vector.shape_cast %get3A_5 : vector<32x4096xf32> to vector<1x32x4096xf32>
    %mul3A = vector.broadcast %broadcast_in_dim3A : vector<1x32x4096xf32> to vector<4x32x4096xf32>
    %mul3A_6 = arith.mulf %get3A_2, %mul3A : vector<4x32x4096xf32>
    %get3A_7 = arith.constant 0 : index
    %get3A_8 = arith.constant 0 : index
    %get3A_9 = vector.load %arg4[%get3A_7, %get3A_8] : memref<32x4096xf32, #tpu.memory_space<vmem>>, vector<32x4096xf32>
    %broadcast_in_dim3A_10 = vector.shape_cast %get3A_9 : vector<32x4096xf32> to vector<1x32x4096xf32>
    %add3A = vector.broadcast %broadcast_in_dim3A_10 : vector<1x32x4096xf32> to vector<4x32x4096xf32>
    %add3A_11 = arith.addf %mul3A_6, %add3A : vector<4x32x4096xf32>
    %swap3A = arith.constant 0 : index
    %swap3A_12 = arith.constant 0 : index
    %swap3A_13 = arith.constant 0 : index
    %swap3A_14 = vector.load %arg5[%swap3A, %swap3A_12, %swap3A_13] : memref<4x32x4096xf32, #tpu.memory_space<vmem>>, vector<4x32x4096xf32>
    tpu.vector_store %arg5[%swap3A, %swap3A_12, %swap3A_13], %add3A_11 {strides = array<i32>} : memref<4x32x4096xf32, #tpu.memory_space<vmem>>, vector<4x32x4096xf32>,
    return
  }
  func.func @transform_1(%arg0: i32) -> (i32, i32, i32) {
    %c0_i32 = arith.constant 0 : i32
    %c1_i32 = arith.constant 1 : i32
    %c0_i32_0 = arith.constant 0 : i32
    return %c0_i32, %c1_i32, %arg0 : i32, i32, i32
  }
  func.func @transform_2(%arg0: i32) -> (i32, i32) {
    %c0_i32 = arith.constant 0 : i32
    %c0_i32_0 = arith.constant 0 : i32
    return %c0_i32, %arg0 : i32, i32
  }
  func.func @transform_3(%arg0: i32) -> (i32, i32) {
    %c0_i32 = arith.constant 0 : i32
    %c0_i32_0 = arith.constant 0 : i32
    return %c0_i32, %arg0 : i32, i32
  }
  func.func @transform_4(%arg0: i32) -> (i32, i32, i32) {
    %c0_i32 = arith.constant 0 : i32
    %c1_i32 = arith.constant 1 : i32
    %c0_i32_0 = arith.constant 0 : i32
    return %c0_i32, %c1_i32, %arg0 : i32, i32, i32
  }
}

module attributes {stable_mosaic.version = 14 : i64} {
  func.func @body(%arg0: i32, %arg1: memref<4x32x4096xf32, #tpu.memory_space<vmem>>, %arg2: memref<32x4096xf32, #tpu.memory_space<vmem>>, %arg3: memref<32x4096xf32, #tpu.memory_space<vmem>>, %arg4: memref<4x32x4096xf32, #tpu.memory_space<vmem>>) attributes {dimension_semantics = [#tpu.dimension_semantics<arbitrary>], iteration_bounds = array<i64: 4>, scalar_prefetch = 0 : i64, scratch_operands = 0 : i64, tpu.core_type = #tpu.core_type<tc>, window_params = [{transform_indices = @transform_0, window_bounds = array<i64: 4, 32, 4096>}, {transform_indices = @transform_1, window_bounds = array<i64: 32, 4096>}, {transform_indices = @transform_2, window_bounds = array<i64: 32, 4096>}, {transform_indices = @transform_3, window_bounds = array<i64: 4, 32, 4096>}]} {
    %get3A = arith.constant 0 : index
    %get3A_0 = arith.constant 0 : index
    %get3A_1 = arith.constant 0 : index
    %get3A_2 = vector.load %arg1[%get3A, %get3A_0, %get3A_1] : memref<4x32x4096xf32, #tpu.memory_space<vmem>>, vector<4x32x4096xf32>
    %get3A_3 = arith.constant 0 : index
    %get3A_4 = arith.constant 0 : index
    %get3A_5 = vector.load %arg2[%get3A_3, %get3A_4] : memref<32x4096xf32, #tpu.memory_space<vmem>>, vector<32x4096xf32>
    %broadcast_in_dim3A = vector.shape_cast %get3A_5 : vector<32x4096xf32> to vector<1x32x4096xf32>
    %mul3A = vector.broadcast %broadcast_in_dim3A : vector<1x32x4096xf32> to vector<4x32x4096xf32>
    %mul3A_6 = arith.mulf %get3A_2, %mul3A : vector<4x32x4096xf32>
    %get3A_7 = arith.constant 0 : index
    %get3A_8 = arith.constant 0 : index
    %get3A_9 = vector.load %arg3[%get3A_7, %get3A_8] : memref<32x4096xf32, #tpu.memory_space<vmem>>, vector<32x4096xf32>
    %broadcast_in_dim3A_10 = vector.shape_cast %get3A_9 : vector<32x4096xf32> to vector<1x32x4096xf32>
    %add3A = vector.broadcast %broadcast_in_dim3A_10 : vector<1x32x4096xf32> to vector<4x32x4096xf32>
    %add3A_11 = arith.addf %mul3A_6, %add3A : vector<4x32x4096xf32>
    %swap3A = arith.constant 0 : index
    %swap3A_12 = arith.constant 0 : index
    %swap3A_13 = arith.constant 0 : index
    %swap3A_14 = vector.load %arg4[%swap3A, %swap3A_12, %swap3A_13] : memref<4x32x4096xf32, #tpu.memory_space<vmem>>, vector<4x32x4096xf32>
    tpu.vector_store %arg4[%swap3A, %swap3A_12, %swap3A_13], %add3A_11 {strides = array<i32>} : memref<4x32x4096xf32, #tpu.memory_space<vmem>>, vector<4x32x4096xf32>,
    return
  }
  func.func @transform_0(%arg0: i32) -> (i32, i32, i32) {
    %c0_i32 = arith.constant 0 : i32
    %c0_i32_0 = arith.constant 0 : i32
    %c0_i32_1 = arith.constant 0 : i32
    return %c0_i32, %c0_i32_0, %arg0 : i32, i32, i32
  }
  func.func @transform_1(%arg0: i32) -> (i32, i32) {
    %c0_i32 = arith.constant 0 : i32
    %c0_i32_0 = arith.constant 0 : i32
    return %c0_i32, %arg0 : i32, i32
  }
  func.func @transform_2(%arg0: i32) -> (i32, i32) {
    %c0_i32 = arith.constant 0 : i32
    %c0_i32_0 = arith.constant 0 : i32
    return %c0_i32, %arg0 : i32, i32
  }
  func.func @transform_3(%arg0: i32) -> (i32, i32, i32) {
    %c0_i32 = arith.constant 0 : i32
    %c0_i32_0 = arith.constant 0 : i32
    %c0_i32_1 = arith.constant 0 : i32
    return %c0_i32, %c0_i32_0, %arg0 : i32, i32, i32
  }
}

</mosaic_0001>

<sc_bundles>
// kernel: kernel.6.cloned.1.call-start
scs
__scs_entry_jumppad:
0x0: {  	(pc) =	sbr.rel $0x88, $3  }
0x1: {  	(tag) =	ssettag $0x0;
	lr =	simm.s32 $0x1  }
0x2: {  	[smem:$0x3F9D] =	sst lr;
	_ =	strace $0xD0000000  }
0x3: {  	_ = 	snop  }
0x4: {  	_ = 	snop  }
0x5: {  	_ = 	snop  }
0x6: {  	_ = 	snop  }
0x7: {  	_ = 	snop  }
__scs_overlays_trampoline_lowered:
0x8: {  	[smem:$0x3FAC] =	sst s0  }
0x9: {  	[smem:$0x3FAD] =	sst s1  }
0xa: {  	[smem:$0x3FAE] =	sst s2  }
0xb: {  	[smem:$0x3FAF] =	sst s3  }
0xc: {  	[smem:$0x3FB0] =	sst s4  }
0xd: {  	[smem:$0x3FB1] =	sst s5  }
0xe: {  	[smem:$0x3FB2] =	sst s6  }
0xf: {  	[smem:$0x3FB3] =	sst s7  }
0x10: {  	[smem:$0x3FB4] =	sst s8  }
0x11: {  	[smem:$0x3FB5] =	sst s9;
	s0 =	simm.s32 @!p0 $0x0  }
0x12: {  	s1 =	sld [smem:$0x3F9B];
	s0 =	simm.s32 @p0 $0x1  }
0x13: {  	[smem:$0x3FB6] =	sst s0;
	s0 =	simm.s32 @!p1 $0x0  }
0x14: {  	s2 =	sld [smem:$0x3F9A];
	s0 =	simm.s32 @p1 $0x1  }
0x15: {  	[smem:$0x3FB7] =	sst s0;
	s0 =	simm.s32 @!p2 $0x0  }
0x16: {  	s3 =	sld [smem:$0x3FDB];
	s0 =	simm.s32 @p2 $0x1  }
0x17: {  	s4 =	simm.s32 $0x1BF5;
	[smem:$0x3FB9] =	sst s0  }
0x18: {  	s0 =	sld [smem:$0x3F9C];
	_ =	swait.ge [sflag:s4], $0x0  }
0x19: {  	s7 =	sld [smem:$0x3F9D]  }
0x1a: {  	s8 =	sadd.s32 $0xFFFFE003, lr  }
0x1b: {  	s9 =	sadd.s32 $0xFFFFFEF7, lr;
	s5 =	simm.s32 $0xFFFFFFFF;
	p2 =	slt.u32 s8, $0xFFFFF086  }
0x1c: {  	p1 =	slt.u32 s9, $0xF7A;
	s5 =	simm.s32 @!p2 $0x0  }
0x1d: {  	s5 =	simm.s32 @p1 $0x1;
	p0 =	seq.s32 s7, s2  }
0x1e: {  	s7 =	smul.u32 @!p0 $0xF7A, s2;
	p2 =	seq.s32 @!p0 s5, $0x0  }
0x1f: {  	s9 =	smul.u32 $0xF7A, s1;
	s8 =	simm.s32 @!p0 $0x1BF5;
	p2 =	por !p2, p0  }
0x20: {  	[sflag:s8] =	ssyncset.s32 @!p0 $0xFFFFF086;
	s6 =	sadd.s32 @!p0 s3, s7;
	s7 =	simm.s32 @!p0 $0x108  }
0x21: {  	s3 =	sadd.s32 s3, s9;
	s6 =	sadd.s32 @!p0 $0x88, s6;
	s7 =	simm.s32 @p2 $0x1082  }
0x22: {  	[simem:s7], [sflag:s8] =	dma.local @!p0 [hbm:s6], $0xF7A  }
0x23: {  	s9 =	sor.u32 $0xD0000000, s2;
	s6 =	simm.s32 $0x108;
	_ =	swait.ge @!p0 [sflag:s8], $0x0  }
0x24: {  	s3 =	sadd.s32 $0x88, s3;
	s6 =	simm.s32 @!p1 $0x1082;
	[sflag:s4] =	ssyncset.s32 $0xFFFFF086  }
0x25: {  	[simem:s6], [sflag:s4] =	dma.local [hbm:s3], $0xF7A  }
0x26: {  	[smem:$0x3F9D] =	sst s1;
	(tag) =	ssettag s2;
	_ =	strace s9  }
0x27: {  	s1 =	sld [smem:$0x3FAD]  }
0x28: {  	s2 =	sld [smem:$0x3FAE]  }
0x29: {  	s4 =	sld [smem:$0x3FB0]  }
0x2a: {  	p0 =	seq.s32 s5, $0x0;
	s5 =	sld [smem:$0x3FB1]  }
0x2b: {  	s6 =	sld [smem:$0x3FB2]  }
0x2c: {  	s7 =	sld [smem:$0x3FB3]  }
0x2d: {  	s3 =	simm.s32 $0x108;
	s8 =	sld [smem:$0x3FB4]  }
0x2e: {  	s3 =	simm.s32 @!p0 $0x1082;
	s9 =	sld [smem:$0x3FB5]  }
0x2f: {  	lr =	sadd.s32 s0, s3;
	s0 =	sld [smem:$0x3FAC]  }
0x30: {  	s3 =	sld [smem:$0x3FAF]  }
0x31: {  	[smem:$0x3FB8] =	sst s10  }
0x32: {  	s10 =	sld [smem:$0x3FB6];
	_ =	sdelay $0x3  }
0x33: {  	p0 =	seq.s32 s10, $0x1;
	s10 =	sld [smem:$0x3FB8];
	_ =	sdelay $0x3  }
0x34: {  	[smem:$0x3FB8] =	sst s10  }
0x35: {  	s10 =	sld [smem:$0x3FB7];
	_ =	sdelay $0x3  }
0x36: {  	p1 =	seq.s32 s10, $0x1;
	s10 =	sld [smem:$0x3FB8];
	_ =	sdelay $0x3  }
0x37: {  	[smem:$0x3FB8] =	sst s10  }
0x38: {  	s10 =	sld [smem:$0x3FB9]  }
0x39: {  	_ = 	snop;
	(pc) =	sbr.ind lr, $3  }
0x3a: {  	_ = 	snop  }
0x3b: {  	_ = 	snop  }
0x3c: {  	p2 =	seq.s32 s10, $0x1;
	s10 =	sld [smem:$0x3FB8]  }
0x3d: {  	_ =	shalt  }
0x3e: {  	_ =	shalt  }
0x3f: {  	_ =	shalt  }
0x40: {  	_ =	shalt  }
0x41: {  	_ =	shalt  }
0x42: {  	_ =	shalt  }
0x43: {  	_ =	shalt  }
0x44: {  	_ =	shalt  }
0x45: {  	_ =	shalt  }
0x46: {  	_ =	shalt  }
0x47: {  	_ =	shalt  }
0x48: {  	_ =	shalt  }
0x49: {  	_ =	shalt  }
0x4a: {  	_ =	shalt  }
0x4b: {  	_ =	shalt  }
0x4c: {  	_ =	shalt  }
0x4d: {  	_ =	shalt  }
0x4e: {  	_ =	shalt  }
0x4f: {  	_ =	shalt  }
0x50: {  	_ =	shalt  }
0x51: {  	_ =	shalt  }
0x52: {  	_ =	shalt  }
0x53: {  	_ =	shalt  }
0x54: {  	_ =	shalt  }
0x55: {  	_ =	shalt  }
0x56: {  	_ =	shalt  }
0x57: {  	_ =	shalt  }
0x58: {  	_ =	shalt  }
0x59: {  	_ =	shalt  }
0x5a: {  	_ =	shalt  }
0x5b: {  	_ =	shalt  }
0x5c: {  	_ =	shalt  }
0x5d: {  	_ =	shalt  }
0x5e: {  	_ =	shalt  }
0x5f: {  	_ =	shalt  }
0x60: {  	_ =	shalt  }
0x61: {  	_ =	shalt  }
0x62: {  	_ =	shalt  }
0x63: {  	_ =	shalt  }
0x64: {  	_ =	shalt  }
0x65: {  	_ =	shalt  }
0x66: {  	_ =	shalt  }
0x67: {  	_ =	shalt  }
0x68: {  	_ =	shalt  }
0x69: {  	_ =	shalt  }
0x6a: {  	_ =	shalt  }
0x6b: {  	_ =	shalt  }
0x6c: {  	_ =	shalt  }
0x6d: {  	_ =	shalt  }
0x6e: {  	_ =	shalt  }
0x6f: {  	_ =	shalt  }
0x70: {  	_ =	shalt  }
0x71: {  	_ =	shalt  }
0x72: {  	_ =	shalt  }
0x73: {  	_ =	shalt  }
0x74: {  	_ =	shalt  }
0x75: {  	_ =	shalt  }
0x76: {  	_ =	shalt  }
0x77: {  	_ =	shalt  }
0x78: {  	_ =	shalt  }
0x79: {  	_ =	shalt  }
0x7a: {  	_ =	shalt  }
0x7b: {  	_ =	shalt  }
0x7c: {  	_ =	shalt  }
0x7d: {  	_ =	shalt  }
0x7e: {  	_ =	shalt  }
0x7f: {  	_ =	shalt  }
0x80: {  	_ =	shalt  }
0x81: {  	_ =	shalt  }
0x82: {  	_ =	shalt  }
0x83: {  	_ =	shalt  }
0x84: {  	_ =	shalt  }
0x85: {  	_ =	shalt  }
0x86: {  	_ =	shalt  }
0x87: {  	_ =	shalt  }
.Lfunc_end0:
.L_simem_size_0:
called_computation_lowered:
.L_overlay_start_0:
0x88: {  	s2 =	sld [smem:$0x3FD9]  }
0x89: {  	s3 =	sld [smem:$0x3FFE];
	_ =	sdelay $0x1  }
0x8a: {  	s1 =	srdreg.scid  }
0x8b: {  	s0 =	sand.u32 $0x1, s1  }
0x8c: {  	s17 =	sshll.u32 s0, $0xA;
	s2 =	sadd.s32 s3, s2  }
0x8d: {  	s2 =	sadd.s32 s2, s17  }
0x8e: {  	[smem:$0x3FC4] =	sst s2  }
0x8f: {  	_ = 	snop  }
0x90: {  	s2 =	sld [smem:$0x3FC8]  }
0x91: {  	s18 =	sld [smem:$0x3FC7]  }
0x92: {  	s4 =	sld [smem:$0x3FC6]  }
0x93: {  	s5 =	sld [smem:$0x3FD0];
	(tm) =	ssettm $0x1  }
0x94: {  	s6 =	sld [smem:$0x3FFB];
	_ =	sdelay $0x3  }
0x95: {  	_ =	strace s6  }
0x96: {  	s6 =	sld [smem:$0x3FFC];
	_ =	sdelay $0x3  }
0x97: {  	_ =	strace s6  }
0x98: {  	s6 =	sld [smem:$0x3FFD];
	_ =	sdelay $0x3  }
0x99: {  	_ =	strace s6  }
0x9a: {  	_ =	strace $0x8FFFFFFF  }
0x9b: {  	s19 =	sld [smem:$0x3FDB];
	_ =	sdelay $0x1  }
0x9c: {  	s7 =	simm.s32 $_scs_section_size  }
0x9d: {  	s8 =	simm.s32 $_size__tile_overlayer_lowered;
	s9 =	simm.s32 $_tile_overlayer_lowered  }
0x9e: {  	s22 =	simm.s32 $0x1BFF;
	s21 =	sshll.u32 s9, $0x1;
	s6 =	sadd.s32 s7, s19  }
0x9f: {  	s10 =	simm.s32 $0x0;
	s20 =	sshll.u32 s8, $0x1;
	s8 =	sadd.s32 s21, s6  }
0xa0: {  	[timem:s10], [sflag:s22] =	dma.local [hbm:s8], s20  }
0xa1: {  	_ =	swait.ge [sflag:s22], s20  }
0xa2: {  	s7 =	ssub.s32 $0x0, s20;
	[sflag:s22] =	ssyncset.done $0x0  }
0xa3: {  	[sflag:s22] =	ssyncadd.s32 s7;
	_ =	sdelay $0x1  }
0xa4: {  	s23 =	simm.s32 $0x1B8B  }
0xa5: {  	_ =	swait.ge [sflag:s23], $0x1  }
0xa6: {  	[sflag:s23] =	ssyncset.done $0x0  }
0xa7: {  	s25 =	simm.s32 $0x1B8E;
	s24 =	sld [smem:$0x3FFE];
	[sflag:s23] =	ssyncadd.s32 $0xFFFFFFFF  }
0xa8: {  	s26 =	simm.s32 $execute0_lowered;
	[smem:$0x3FD2] =	sst s25  }
0xa9: {  	s8 =	sshll.u32 s26, $0x1;
	_ =	strace $0x80000046;
	[dreg:$0x1] =	wrdreg $0xFFFFFFFF  }
0xaa: {  	s28 =	simm.s32 $_size_execute0_lowered;
	s6 =	sadd.s32 s6, s8;
	[dreg:$0x0] =	wrdreg $0x0  }
0xab: {  	s8 =	sshll.u32 s28, $0x1;
	[dreg:$0x2] =	wrdreg s6  }
0xac: {  	[dreg:$0x3] =	wrdreg s8  }
0xad: {  	[dreg:$0x4] =	wrdreg $0xC0  }
0xae: {  	_ =	task [dreg:s10], $0x5FFFF  }
0xaf: {  	[dreg:$0x1] =	wrdreg $0xFFFFFFFF  }
0xb0: {  	[dreg:$0x0] =	wrdreg $0x60  }
0xb1: {  	[dreg:$0x2] =	wrdreg s18  }
0xb2: {  	[dreg:$0x3] =	wrdreg s4  }
0xb3: {  	[dreg:$0x4] =	wrdreg s2  }
0xb4: {  	[dreg:$0x5] =	wrdreg s5  }
0xb5: {  	[dreg:$0x6] =	wrdreg s24  }
0xb6: {  	[dreg:$0x7] =	wrdreg $0x9  }
0xb7: {  	_ =	task.clear_ibuf [dreg:s10], $0x8FFFF;
	_ =	strace $0x90000046  }
0xb8: {  	s29 =	simm.s32 $0x9;
	_ =	strace $0x80000048  }
0xb9: {  	_ =	swait.ge [sflag:s29], $0x1  }
0xba: {  	[sflag:s29] =	ssyncadd.s32 $0xFFFFFFFF  }
0xbb: {  	_ =	strace $0x90000048  }
0xbc: {  	_ =	sfence  }
0xbd: {  	s30 =	sld [smem:$0x0];
	_ =	sdelay $0x2  }
0xbe: {  	s31 =	sshll.u32 s1, $0xD;
	s1 =	sshrl.u32 s1, $0x2  }
0xbf: {  	s3 =	sand.u32 $0x4000, s31;
	s1 =	sadd.s32 s1, s30  }
0xc0: {  	s0 =	sor.u32 s3, s0;
	s1 =	sshll.u32 s1, $0x11  }
0xc1: {  	s0 =	sor.u32 s1, s0  }
0xc2: {  	s0 =	sadd.s32 $0x8F2B, s0  }
0xc3: {  	[sflag:s0] =	ssyncadd.remote.s32 $0x1  }
0xc4: {  	_ =	sfence.sel $0xFFFF  }
0xc5: {  	[dreg:$0x0] =	wrdreg $0xFFFFFFFF;
	(pc) =	sbr.abs _section_cstart, $3  }
0xc6: {  	[dreg:$0x1] =	wrdreg $0xFFFFFFFF  }
0xc7: {  	_ =	task.clear_ibuf [dreg:s10], $0x2FFFF;
	_ =	strace $0x9FFFFFFF  }
0xc8: {  	(tm) =	ssettm $0x7FFFFFFF  }
0xc9: {  	_ =	shalt  }
tec
execute0_lowered:
.L_overlay_start_1:
0x0: {  	(tag) =	ssettag $0x1  }
0x1: {  	s4 =	rddreg [dreg:$0x0]  }
0x2: {  	s7 =	rddreg [dreg:$0x1]  }
0x3: {  	s1 =	rddreg [dreg:$0x2]  }
0x4: {  	s6 =	rddreg [dreg:$0x3]  }
0x5: {  	s5 =	rddreg [dreg:$0x4]  }
0x6: {  	s0 =	rddreg [dreg:$0x5];
	s3 =	simm.s32 $0x0;
	s8 =	srdreg.scid  }
0x7: {  	s2 =	stileid.u32;
	s14 =	simm.s32 $0x400;
	s15 =	simm.s32 $0x1C700  }
0x8: {  	s16 =	simm.s32 $0x0;
	[smem:$0x7FF] =	sst s3;
	s8 =	sand.u32 $0x1, s8  }
0x9: {  	s9 =	sshrl.u32 s2, $0x2;
	s10 =	sshll.u32 s2, $0x8;
	s13 =	sadd.s32 $0x2800, s5  }
0xa: {  	_ =	strace $0x80000047;
	s11 =	sshll.u32 s8, $0x7;
	s10 =	sand.u32 $0x300, s10  }
0xb: {  	s12 =	smul.u32 $0xC3800, s9;
	s9 =	sshll.u32 s9, $0x11;
	s8 =	ssub.s32 $0x2, s8  }
0xc: {  	s26 =	sor.u32 s11, s10;
	s28 =	sshrl.u32 s8, $0x1;
	s11 =	simm.s32 $0x18700  }
0xd: {  	s10 =	sor.u32 s12, s26;
	s5 =	sor.u32 s9, s26;
	s30 =	ssub.s32 s8, s28  }
0xe: {  	s12 =	simm.s32 $0x1;
	s10 =	sshrl.u32 s10, $0x3;
	s29 =	sshrl.u32 s5, $0x3  }
0xf: {  	s4 =	sadd.s32 s4, s10;
	s31 =	sor.u32 $0x2000, s29;
	s5 =	sadd.s32 s6, s29  }
0x10: {  	s7 =	sadd.s32 s7, s10;
	s8 =	sadd.s32 s13, s29;
	s10 =	smax.u32 s30, $0x1  }
0x11: {  	s6 =	sadd.s32 s6, s31;
	s9 =	sadd.s32 s13, s31;
	s13 =	simm.s32 $0x80  }
.LBB2_1:
0x12: {  	[tilespmem:s11], [sflag:$0x1] =	stream.linear.gather [hbm4b:s1+s3], $0x4000, $0x38;
	[tilespmem:$0x1E700] =	vst v63  }
0x13: {  	_ =	swait.ge [sflag:s12], $0x4000  }
0x14: {  	[sflag:s12] =	ssyncset.done $0x0  }
0x15: {  	[sflag:s12] =	ssyncadd.s32 $0xFFFFC000  }
0x16: {  	[tilespmem:s3], [sflag:$0x1] =	stream.strided.gather [hbm4b:s4+s13], $0x18700, s14, s13, $0x38;
	[tilespmem:$0x1E700] =	vst v63  }
0x17: {  	_ =	swait.ge [sflag:s12], $0x18700  }
0x18: {  	[sflag:s12] =	ssyncset.done $0x0  }
0x19: {  	s17 =	simm.s32 $0x0;
	[sflag:s12] =	ssyncadd.s32 $0xFFFE7900  }
0x1a: {  	v0 =	vld [tilespmem:s17+$0x18700];
	_ =	sdelay $0x5  }
0x1b: {  	v1 =	vld [tilespmem:s17+$0x18710];
	_ =	sdelay $0x1  }
0x1c: {  	v0 =	vld.idx.msk [tilespmem:v0+s3+$0x0], $0xffff;
	_ =	sdelay $0x4  }
0x1d: {  	[tilespmem:s17+$0x1C700] =	vst v0;
	v0 =	vld [tilespmem:s17+$0x18720]  }
0x1e: {  	v1 =	vld.idx.msk [tilespmem:v1+s3+$0x0], $0xffff;
	_ =	sdelay $0x4  }
0x1f: {  	[tilespmem:s17+$0x1C710] =	vst v1;
	v1 =	vld [tilespmem:s17+$0x18730];
	_ =	sdelay $0x1  }
0x20: {  	v0 =	vld.idx.msk [tilespmem:v0+s3+$0x0], $0xffff;
	_ =	sdelay $0x4  }
0x21: {  	[tilespmem:s17+$0x1C720] =	vst v0;
	v0 =	vld [tilespmem:s17+$0x18740]  }
0x22: {  	v1 =	vld.idx.msk [tilespmem:v1+s3+$0x0], $0xffff;
	_ =	sdelay $0x4  }
0x23: {  	[tilespmem:s17+$0x1C730] =	vst v1;
	v1 =	vld [tilespmem:s17+$0x18750];
	_ =	sdelay $0x1  }
0x24: {  	v0 =	vld.idx.msk [tilespmem:v0+s3+$0x0], $0xffff;
	_ =	sdelay $0x4  }
0x25: {  	v2 =	vld [tilespmem:s17+$0x18760];
	[tilespmem:s17+$0x1C740] =	vst v0  }
0x26: {  	v0 =	vld.idx.msk [tilespmem:v1+s3+$0x0], $0xffff;
	_ =	sdelay $0x4  }
0x27: {  	[tilespmem:s17+$0x1C750] =	vst v0;
	v0 =	vld [tilespmem:s17+$0x18770];
	_ =	sdelay $0x1  }
0x28: {  	v1 =	vld.idx.msk [tilespmem:v2+s3+$0x0], $0xffff;
	_ =	sdelay $0x3  }
0x29: {  	s19 =	simm.s32 $0x80;
	s18 =	simm.s32 $0x400  }
.LBB2_2:
0x2a: {  	p0 =	sne.s32 s18, $0x7E00;
	v2 =	vld [tilespmem:s19+$0x18700];
	[tilespmem:s17+$0x1C760] =	vst v1  }
0x2b: {  	v0 =	vld.idx.msk [tilespmem:v0+s3+$0x0], $0xffff;
	_ =	sdelay $0x5  }
0x2c: {  	v1 =	vld [tilespmem:s19+$0x18710];
	[tilespmem:s17+$0x1C770] =	vst v0;
	s17 =	smov.u32 s19  }
0x2d: {  	v0 =	vld.idx.msk [tilespmem:v2+s3+$0x0], $0xffff;
	_ =	sdelay $0x5  }
0x2e: {  	[tilespmem:s17+$0x1C700] =	vst v0;
	v0 =	vld [tilespmem:s17+$0x18720]  }
0x2f: {  	v1 =	vld.idx.msk [tilespmem:v1+s3+$0x0], $0xffff;
	_ =	sdelay $0x5  }
0x30: {  	[tilespmem:s17+$0x1C710] =	vst v1;
	v1 =	vld [tilespmem:s17+$0x18730]  }
0x31: {  	v0 =	vld.idx.msk [tilespmem:v0+s3+$0x0], $0xffff;
	_ =	sdelay $0x5  }
0x32: {  	[tilespmem:s17+$0x1C720] =	vst v0;
	v0 =	vld [tilespmem:s17+$0x18740]  }
0x33: {  	v1 =	vld.idx.msk [tilespmem:v1+s3+$0x0], $0xffff;
	_ =	sdelay $0x5  }
0x34: {  	[tilespmem:s17+$0x1C730] =	vst v1;
	v1 =	vld [tilespmem:s17+$0x18750]  }
0x35: {  	v0 =	vld.idx.msk [tilespmem:v0+s3+$0x0], $0xffff;
	_ =	sdelay $0x5  }
0x36: {  	[tilespmem:s17+$0x1C740] =	vst v0;
	v2 =	vld [tilespmem:s17+$0x18760]  }
0x37: {  	v0 =	vld.idx.msk [tilespmem:v1+s3+$0x0], $0xffff;
	_ =	sdelay $0x5  }
0x38: {  	[tilespmem:s17+$0x1C750] =	vst v0;
	v0 =	vld [tilespmem:s17+$0x18770]  }
0x39: {  	v1 =	vld.idx.msk [tilespmem:v2+s3+$0x0], $0xffff  }
.Ltmp0:
0x3a: {  	(pc) =	sbr.rel @p0 .LBB2_2-.Ltmp0, $2  }
0x3b: {  	_ =	sdelay $0x2  }
0x3c: {  	s19 =	sshra.s32 s18, $0x2;
	s18 =	sadd.s32 $0x200, s18  }
0x3d: {  	_ =	sdelay $0x1  }
0x3e: {  	v2 =	vld [tilespmem:s19+$0x18700]  }
0x3f: {  	[tilespmem:s17+$0x1C760] =	vst v1  }
0x40: {  	v0 =	vld.idx.msk [tilespmem:v0+s3+$0x0], $0xffff;
	_ =	sdelay $0x3  }
0x41: {  	v1 =	vld [tilespmem:s19+$0x18710]  }
0x42: {  	[tilespmem:s17+$0x1C770] =	vst v0  }
0x43: {  	v0 =	vld.idx.msk [tilespmem:v2+s3+$0x0], $0xffff;
	_ =	sdelay $0x4  }
0x44: {  	[tilespmem:s19+$0x1C700] =	vst v0;
	v0 =	vld [tilespmem:s19+$0x18720]  }
0x45: {  	v1 =	vld.idx.msk [tilespmem:v1+s3+$0x0], $0xffff;
	_ =	sdelay $0x4  }
0x46: {  	[tilespmem:s19+$0x1C710] =	vst v1;
	v1 =	vld [tilespmem:s19+$0x18730];
	_ =	sdelay $0x1  }
0x47: {  	v0 =	vld.idx.msk [tilespmem:v0+s3+$0x0], $0xffff;
	_ =	sdelay $0x4  }
0x48: {  	[tilespmem:s19+$0x1C720] =	vst v0;
	v0 =	vld [tilespmem:s19+$0x18740]  }
0x49: {  	v1 =	vld.idx.msk [tilespmem:v1+s3+$0x0], $0xffff;
	_ =	sdelay $0x4  }
0x4a: {  	[tilespmem:s19+$0x1C730] =	vst v1;
	v1 =	vld [tilespmem:s19+$0x18750];
	_ =	sdelay $0x1  }
0x4b: {  	v0 =	vld.idx.msk [tilespmem:v0+s3+$0x0], $0xffff;
	_ =	sdelay $0x4  }
0x4c: {  	[tilespmem:s19+$0x1C740] =	vst v0;
	v0 =	vld [tilespmem:s19+$0x18760]  }
0x4d: {  	v1 =	vld.idx.msk [tilespmem:v1+s3+$0x0], $0xffff;
	_ =	sdelay $0x4  }
0x4e: {  	[tilespmem:s19+$0x1C750] =	vst v1;
	v1 =	vld [tilespmem:s19+$0x18770];
	_ =	sdelay $0x1  }
0x4f: {  	v0 =	vld.idx.msk [tilespmem:v0+s3+$0x0], $0xffff;
	_ =	sdelay $0x4  }
0x50: {  	[tilespmem:s19+$0x1C760] =	vst v0  }
0x51: {  	v0 =	vld.idx.msk [tilespmem:v1+s3+$0x0], $0xffff;
	_ =	sdelay $0x4  }
0x52: {  	[tilespmem:s19+$0x1C770] =	vst v0  }
0x53: {  	[hbm4b:s5+s13] =	stream.strided.scatter [tilespmem:s15], [sflag:$0x1], $0x2000, s14, s13, $0x38;
	[tilespmem:$0x1E700] =	vst v63  }
0x54: {  	_ =	swait.ge [sflag:s12], $0x2000  }
0x55: {  	[sflag:s12] =	ssyncset.done $0x0  }
0x56: {  	s17 =	simm.s32 $0x0;
	[sflag:s12] =	ssyncadd.s32 $0xFFFFE000  }
0x57: {  	v0 =	vld [tilespmem:s17+$0x1A700];
	_ =	sdelay $0x5  }
0x58: {  	v1 =	vld [tilespmem:s17+$0x1A710];
	_ =	sdelay $0x1  }
0x59: {  	v0 =	vld.idx.msk [tilespmem:v0+s3+$0x0], $0xffff;
	_ =	sdelay $0x4  }
0x5a: {  	[tilespmem:s17+$0x1C700] =	vst v0;
	v0 =	vld [tilespmem:s17+$0x1A720]  }
0x5b: {  	v1 =	vld.idx.msk [tilespmem:v1+s3+$0x0], $0xffff;
	_ =	sdelay $0x4  }
0x5c: {  	[tilespmem:s17+$0x1C710] =	vst v1;
	v1 =	vld [tilespmem:s17+$0x1A730];
	_ =	sdelay $0x1  }
0x5d: {  	v0 =	vld.idx.msk [tilespmem:v0+s3+$0x0], $0xffff;
	_ =	sdelay $0x4  }
0x5e: {  	[tilespmem:s17+$0x1C720] =	vst v0;
	v0 =	vld [tilespmem:s17+$0x1A740]  }
0x5f: {  	v1 =	vld.idx.msk [tilespmem:v1+s3+$0x0], $0xffff;
	_ =	sdelay $0x4  }
0x60: {  	[tilespmem:s17+$0x1C730] =	vst v1;
	v1 =	vld [tilespmem:s17+$0x1A750];
	_ =	sdelay $0x1  }
0x61: {  	v0 =	vld.idx.msk [tilespmem:v0+s3+$0x0], $0xffff;
	_ =	sdelay $0x4  }
0x62: {  	v2 =	vld [tilespmem:s17+$0x1A760];
	[tilespmem:s17+$0x1C740] =	vst v0  }
0x63: {  	v0 =	vld.idx.msk [tilespmem:v1+s3+$0x0], $0xffff;
	_ =	sdelay $0x4  }
0x64: {  	[tilespmem:s17+$0x1C750] =	vst v0;
	v0 =	vld [tilespmem:s17+$0x1A770];
	_ =	sdelay $0x1  }
0x65: {  	v1 =	vld.idx.msk [tilespmem:v2+s3+$0x0], $0xffff;
	_ =	sdelay $0x3  }
0x66: {  	s18 =	simm.s32 $0x400;
	s19 =	simm.s32 $0x80  }
.LBB2_4:
0x67: {  	p0 =	sne.s32 s18, $0x7E00;
	v2 =	vld [tilespmem:s19+$0x1A700];
	[tilespmem:s17+$0x1C760] =	vst v1  }
0x68: {  	v0 =	vld.idx.msk [tilespmem:v0+s3+$0x0], $0xffff;
	_ =	sdelay $0x5  }
0x69: {  	v1 =	vld [tilespmem:s19+$0x1A710];
	[tilespmem:s17+$0x1C770] =	vst v0;
	s17 =	smov.u32 s19  }
0x6a: {  	v0 =	vld.idx.msk [tilespmem:v2+s3+$0x0], $0xffff;
	_ =	sdelay $0x5  }
0x6b: {  	[tilespmem:s17+$0x1C700] =	vst v0;
	v0 =	vld [tilespmem:s17+$0x1A720]  }
0x6c: {  	v1 =	vld.idx.msk [tilespmem:v1+s3+$0x0], $0xffff;
	_ =	sdelay $0x5  }
0x6d: {  	[tilespmem:s17+$0x1C710] =	vst v1;
	v1 =	vld [tilespmem:s17+$0x1A730]  }
0x6e: {  	v0 =	vld.idx.msk [tilespmem:v0+s3+$0x0], $0xffff;
	_ =	sdelay $0x5  }
0x6f: {  	[tilespmem:s17+$0x1C720] =	vst v0;
	v0 =	vld [tilespmem:s17+$0x1A740]  }
0x70: {  	v1 =	vld.idx.msk [tilespmem:v1+s3+$0x0], $0xffff;
	_ =	sdelay $0x5  }
0x71: {  	[tilespmem:s17+$0x1C730] =	vst v1;
	v1 =	vld [tilespmem:s17+$0x1A750]  }
0x72: {  	v0 =	vld.idx.msk [tilespmem:v0+s3+$0x0], $0xffff;
	_ =	sdelay $0x5  }
0x73: {  	[tilespmem:s17+$0x1C740] =	vst v0;
	v2 =	vld [tilespmem:s17+$0x1A760]  }
0x74: {  	v0 =	vld.idx.msk [tilespmem:v1+s3+$0x0], $0xffff;
	_ =	sdelay $0x5  }
0x75: {  	[tilespmem:s17+$0x1C750] =	vst v0;
	v0 =	vld [tilespmem:s17+$0x1A770]  }
0x76: {  	v1 =	vld.idx.msk [tilespmem:v2+s3+$0x0], $0xffff  }
.Ltmp1:
0x77: {  	(pc) =	sbr.rel @p0 .LBB2_4-.Ltmp1, $2  }
0x78: {  	_ =	sdelay $0x2  }
0x79: {  	s19 =	sshra.s32 s18, $0x2;
	s18 =	sadd.s32 $0x200, s18  }
0x7a: {  	_ =	sdelay $0x1  }
0x7b: {  	v2 =	vld [tilespmem:s19+$0x1A700]  }
0x7c: {  	[tilespmem:s17+$0x1C760] =	vst v1  }
0x7d: {  	v0 =	vld.idx.msk [tilespmem:v0+s3+$0x0], $0xffff;
	_ =	sdelay $0x3  }
0x7e: {  	v1 =	vld [tilespmem:s19+$0x1A710]  }
0x7f: {  	[tilespmem:s17+$0x1C770] =	vst v0  }
0x80: {  	v0 =	vld.idx.msk [tilespmem:v2+s3+$0x0], $0xffff;
	_ =	sdelay $0x4  }
0x81: {  	[tilespmem:s19+$0x1C700] =	vst v0;
	v0 =	vld [tilespmem:s19+$0x1A720]  }
0x82: {  	v1 =	vld.idx.msk [tilespmem:v1+s3+$0x0], $0xffff;
	_ =	sdelay $0x4  }
0x83: {  	[tilespmem:s19+$0x1C710] =	vst v1;
	v1 =	vld [tilespmem:s19+$0x1A730];
	_ =	sdelay $0x1  }
0x84: {  	v0 =	vld.idx.msk [tilespmem:v0+s3+$0x0], $0xffff;
	_ =	sdelay $0x4  }
0x85: {  	[tilespmem:s19+$0x1C720] =	vst v0;
	v0 =	vld [tilespmem:s19+$0x1A740]  }
0x86: {  	v1 =	vld.idx.msk [tilespmem:v1+s3+$0x0], $0xffff;
	_ =	sdelay $0x4  }
0x87: {  	[tilespmem:s19+$0x1C730] =	vst v1;
	v1 =	vld [tilespmem:s19+$0x1A750];
	_ =	sdelay $0x1  }
0x88: {  	v0 =	vld.idx.msk [tilespmem:v0+s3+$0x0], $0xffff;
	_ =	sdelay $0x4  }
0x89: {  	[tilespmem:s19+$0x1C740] =	vst v0;
	v0 =	vld [tilespmem:s19+$0x1A760]  }
0x8a: {  	v1 =	vld.idx.msk [tilespmem:v1+s3+$0x0], $0xffff;
	_ =	sdelay $0x4  }
0x8b: {  	[tilespmem:s19+$0x1C750] =	vst v1;
	v1 =	vld [tilespmem:s19+$0x1A770];
	_ =	sdelay $0x1  }
0x8c: {  	v0 =	vld.idx.msk [tilespmem:v0+s3+$0x0], $0xffff;
	_ =	sdelay $0x4  }
0x8d: {  	[tilespmem:s19+$0x1C760] =	vst v0  }
0x8e: {  	v0 =	vld.idx.msk [tilespmem:v1+s3+$0x0], $0xffff;
	_ =	sdelay $0x4  }
0x8f: {  	[tilespmem:s19+$0x1C770] =	vst v0  }
0x90: {  	[hbm4b:s6+s13] =	stream.strided.scatter [tilespmem:s15], [sflag:$0x1], $0x2000, s14, s13, $0x38;
	[tilespmem:$0x1E700] =	vst v63  }
0x91: {  	_ =	swait.ge [sflag:s12], $0x2000  }
0x92: {  	[sflag:s12] =	ssyncset.done $0x0  }
0x93: {  	s31 =	simm.s32 $0x0;
	[sflag:s12] =	ssyncadd.s32 $0xFFFFE000  }
0x94: {  	[tilespmem:s31], [sflag:$0x1] =	stream.strided.gather [hbm4b:s7+s13], $0x18700, s14, s13, $0x38;
	[tilespmem:$0x1E700] =	vst v63  }
0x95: {  	_ =	swait.ge [sflag:s12], $0x18700  }
0x96: {  	[sflag:s12] =	ssyncset.done $0x0  }
0x97: {  	s17 =	simm.s32 $0x0;
	[sflag:s12] =	ssyncadd.s32 $0xFFFE7900  }
0x98: {  	v0 =	vld [tilespmem:s17+$0x18700];
	_ =	sdelay $0x5  }
0x99: {  	v1 =	vld [tilespmem:s17+$0x18710];
	_ =	sdelay $0x1  }
0x9a: {  	v0 =	vld.idx.msk [tilespmem:v0+s3+$0x0], $0xffff;
	_ =	sdelay $0x4  }
0x9b: {  	[tilespmem:s17+$0x1C700] =	vst v0;
	v0 =	vld [tilespmem:s17+$0x18720]  }
0x9c: {  	v1 =	vld.idx.msk [tilespmem:v1+s3+$0x0], $0xffff;
	_ =	sdelay $0x4  }
0x9d: {  	[tilespmem:s17+$0x1C710] =	vst v1;
	v1 =	vld [tilespmem:s17+$0x18730];
	_ =	sdelay $0x1  }
0x9e: {  	v0 =	vld.idx.msk [tilespmem:v0+s3+$0x0], $0xffff;
	_ =	sdelay $0x4  }
0x9f: {  	[tilespmem:s17+$0x1C720] =	vst v0;
	v0 =	vld [tilespmem:s17+$0x18740]  }
0xa0: {  	v1 =	vld.idx.msk [tilespmem:v1+s3+$0x0], $0xffff;
	_ =	sdelay $0x4  }
0xa1: {  	[tilespmem:s17+$0x1C730] =	vst v1;
	v1 =	vld [tilespmem:s17+$0x18750];
	_ =	sdelay $0x1  }
0xa2: {  	v0 =	vld.idx.msk [tilespmem:v0+s3+$0x0], $0xffff;
	_ =	sdelay $0x4  }
0xa3: {  	v2 =	vld [tilespmem:s17+$0x18760];
	[tilespmem:s17+$0x1C740] =	vst v0  }
0xa4: {  	v0 =	vld.idx.msk [tilespmem:v1+s3+$0x0], $0xffff;
	_ =	sdelay $0x4  }
0xa5: {  	[tilespmem:s17+$0x1C750] =	vst v0;
	v0 =	vld [tilespmem:s17+$0x18770];
	_ =	sdelay $0x1  }
0xa6: {  	v1 =	vld.idx.msk [tilespmem:v2+s3+$0x0], $0xffff;
	_ =	sdelay $0x3  }
0xa7: {  	s18 =	simm.s32 $0x400;
	s19 =	simm.s32 $0x80  }
.LBB2_6:
0xa8: {  	p0 =	sne.s32 s18, $0x7E00;
	v2 =	vld [tilespmem:s19+$0x18700];
	[tilespmem:s17+$0x1C760] =	vst v1  }
0xa9: {  	v0 =	vld.idx.msk [tilespmem:v0+s3+$0x0], $0xffff;
	_ =	sdelay $0x5  }
0xaa: {  	v1 =	vld [tilespmem:s19+$0x18710];
	[tilespmem:s17+$0x1C770] =	vst v0;
	s17 =	smov.u32 s19  }
0xab: {  	v0 =	vld.idx.msk [tilespmem:v2+s3+$0x0], $0xffff;
	_ =	sdelay $0x5  }
0xac: {  	[tilespmem:s17+$0x1C700] =	vst v0;
	v0 =	vld [tilespmem:s17+$0x18720]  }
0xad: {  	v1 =	vld.idx.msk [tilespmem:v1+s3+$0x0], $0xffff;
	_ =	sdelay $0x5  }
0xae: {  	[tilespmem:s17+$0x1C710] =	vst v1;
	v1 =	vld [tilespmem:s17+$0x18730]  }
0xaf: {  	v0 =	vld.idx.msk [tilespmem:v0+s3+$0x0], $0xffff;
	_ =	sdelay $0x5  }
0xb0: {  	[tilespmem:s17+$0x1C720] =	vst v0;
	v0 =	vld [tilespmem:s17+$0x18740]  }
0xb1: {  	v1 =	vld.idx.msk [tilespmem:v1+s3+$0x0], $0xffff;
	_ =	sdelay $0x5  }
0xb2: {  	[tilespmem:s17+$0x1C730] =	vst v1;
	v1 =	vld [tilespmem:s17+$0x18750]  }
0xb3: {  	v0 =	vld.idx.msk [tilespmem:v0+s3+$0x0], $0xffff;
	_ =	sdelay $0x5  }
0xb4: {  	[tilespmem:s17+$0x1C740] =	vst v0;
	v2 =	vld [tilespmem:s17+$0x18760]  }
0xb5: {  	v0 =	vld.idx.msk [tilespmem:v1+s3+$0x0], $0xffff;
	_ =	sdelay $0x5  }
0xb6: {  	[tilespmem:s17+$0x1C750] =	vst v0;
	v0 =	vld [tilespmem:s17+$0x18770]  }
0xb7: {  	v1 =	vld.idx.msk [tilespmem:v2+s3+$0x0], $0xffff  }
.Ltmp2:
0xb8: {  	(pc) =	sbr.rel @p0 .LBB2_6-.Ltmp2, $2  }
0xb9: {  	_ =	sdelay $0x2  }
0xba: {  	s19 =	sshra.s32 s18, $0x2;
	s18 =	sadd.s32 $0x200, s18  }
0xbb: {  	_ =	sdelay $0x1  }
0xbc: {  	v2 =	vld [tilespmem:s19+$0x18700]  }
0xbd: {  	[tilespmem:s17+$0x1C760] =	vst v1  }
0xbe: {  	v0 =	vld.idx.msk [tilespmem:v0+s3+$0x0], $0xffff;
	_ =	sdelay $0x3  }
0xbf: {  	v1 =	vld [tilespmem:s19+$0x18710]  }
0xc0: {  	[tilespmem:s17+$0x1C770] =	vst v0  }
0xc1: {  	v0 =	vld.idx.msk [tilespmem:v2+s3+$0x0], $0xffff;
	_ =	sdelay $0x4  }
0xc2: {  	[tilespmem:s19+$0x1C700] =	vst v0;
	v0 =	vld [tilespmem:s19+$0x18720]  }
0xc3: {  	v1 =	vld.idx.msk [tilespmem:v1+s3+$0x0], $0xffff;
	_ =	sdelay $0x4  }
0xc4: {  	[tilespmem:s19+$0x1C710] =	vst v1;
	v1 =	vld [tilespmem:s19+$0x18730];
	_ =	sdelay $0x1  }
0xc5: {  	v0 =	vld.idx.msk [tilespmem:v0+s3+$0x0], $0xffff;
	_ =	sdelay $0x4  }
0xc6: {  	[tilespmem:s19+$0x1C720] =	vst v0;
	v0 =	vld [tilespmem:s19+$0x18740]  }
0xc7: {  	v1 =	vld.idx.msk [tilespmem:v1+s3+$0x0], $0xffff;
	_ =	sdelay $0x4  }
0xc8: {  	[tilespmem:s19+$0x1C730] =	vst v1;
	v1 =	vld [tilespmem:s19+$0x18750];
	_ =	sdelay $0x1  }
0xc9: {  	v0 =	vld.idx.msk [tilespmem:v0+s3+$0x0], $0xffff;
	_ =	sdelay $0x4  }
0xca: {  	[tilespmem:s19+$0x1C740] =	vst v0;
	v0 =	vld [tilespmem:s19+$0x18760]  }
0xcb: {  	v1 =	vld.idx.msk [tilespmem:v1+s3+$0x0], $0xffff;
	_ =	sdelay $0x4  }
0xcc: {  	[tilespmem:s19+$0x1C750] =	vst v1;
	v1 =	vld [tilespmem:s19+$0x18770];
	_ =	sdelay $0x1  }
0xcd: {  	v0 =	vld.idx.msk [tilespmem:v0+s3+$0x0], $0xffff;
	_ =	sdelay $0x4  }
0xce: {  	[tilespmem:s19+$0x1C760] =	vst v0  }
0xcf: {  	v0 =	vld.idx.msk [tilespmem:v1+s3+$0x0], $0xffff;
	_ =	sdelay $0x4  }
0xd0: {  	[tilespmem:s19+$0x1C770] =	vst v0  }
0xd1: {  	[hbm4b:s8+s13] =	stream.strided.scatter [tilespmem:s15], [sflag:$0x1], $0x2000, s14, s13, $0x38;
	[tilespmem:$0x1E700] =	vst v63  }
0xd2: {  	_ =	swait.ge [sflag:s12], $0x2000  }
0xd3: {  	[sflag:s12] =	ssyncset.done $0x0  }
0xd4: {  	s17 =	simm.s32 $0x0;
	[sflag:s12] =	ssyncadd.s32 $0xFFFFE000  }
0xd5: {  	v0 =	vld [tilespmem:s17+$0x1A700];
	_ =	sdelay $0x5  }
0xd6: {  	v1 =	vld [tilespmem:s17+$0x1A710];
	_ =	sdelay $0x1  }
0xd7: {  	v0 =	vld.idx.msk [tilespmem:v0+s3+$0x0], $0xffff;
	_ =	sdelay $0x4  }
0xd8: {  	[tilespmem:s17+$0x1C700] =	vst v0;
	v0 =	vld [tilespmem:s17+$0x1A720]  }
0xd9: {  	v1 =	vld.idx.msk [tilespmem:v1+s3+$0x0], $0xffff;
	_ =	sdelay $0x4  }
0xda: {  	[tilespmem:s17+$0x1C710] =	vst v1;
	v1 =	vld [tilespmem:s17+$0x1A730];
	_ =	sdelay $0x1  }
0xdb: {  	v0 =	vld.idx.msk [tilespmem:v0+s3+$0x0], $0xffff;
	_ =	sdelay $0x4  }
0xdc: {  	[tilespmem:s17+$0x1C720] =	vst v0;
	v0 =	vld [tilespmem:s17+$0x1A740]  }
0xdd: {  	v1 =	vld.idx.msk [tilespmem:v1+s3+$0x0], $0xffff;
	_ =	sdelay $0x4  }
0xde: {  	[tilespmem:s17+$0x1C730] =	vst v1;
	v1 =	vld [tilespmem:s17+$0x1A750];
	_ =	sdelay $0x1  }
0xdf: {  	v0 =	vld.idx.msk [tilespmem:v0+s3+$0x0], $0xffff;
	_ =	sdelay $0x4  }
0xe0: {  	v2 =	vld [tilespmem:s17+$0x1A760];
	[tilespmem:s17+$0x1C740] =	vst v0  }
0xe1: {  	v0 =	vld.idx.msk [tilespmem:v1+s3+$0x0], $0xffff;
	_ =	sdelay $0x4  }
0xe2: {  	[tilespmem:s17+$0x1C750] =	vst v0;
	v0 =	vld [tilespmem:s17+$0x1A770];
	_ =	sdelay $0x1  }
0xe3: {  	v1 =	vld.idx.msk [tilespmem:v2+s3+$0x0], $0xffff;
	_ =	sdelay $0x3  }
0xe4: {  	s18 =	simm.s32 $0x400;
	s19 =	simm.s32 $0x80  }
.LBB2_8:
0xe5: {  	p0 =	sne.s32 s18, $0x7E00;
	v2 =	vld [tilespmem:s19+$0x1A700];
	[tilespmem:s17+$0x1C760] =	vst v1  }
0xe6: {  	v0 =	vld.idx.msk [tilespmem:v0+s3+$0x0], $0xffff;
	_ =	sdelay $0x5  }
0xe7: {  	v1 =	vld [tilespmem:s19+$0x1A710];
	[tilespmem:s17+$0x1C770] =	vst v0;
	s17 =	smov.u32 s19  }
0xe8: {  	v0 =	vld.idx.msk [tilespmem:v2+s3+$0x0], $0xffff;
	_ =	sdelay $0x5  }
0xe9: {  	[tilespmem:s17+$0x1C700] =	vst v0;
	v0 =	vld [tilespmem:s17+$0x1A720]  }
0xea: {  	v1 =	vld.idx.msk [tilespmem:v1+s3+$0x0], $0xffff;
	_ =	sdelay $0x5  }
0xeb: {  	[tilespmem:s17+$0x1C710] =	vst v1;
	v1 =	vld [tilespmem:s17+$0x1A730]  }
0xec: {  	v0 =	vld.idx.msk [tilespmem:v0+s3+$0x0], $0xffff;
	_ =	sdelay $0x5  }
0xed: {  	[tilespmem:s17+$0x1C720] =	vst v0;
	v0 =	vld [tilespmem:s17+$0x1A740]  }
0xee: {  	v1 =	vld.idx.msk [tilespmem:v1+s3+$0x0], $0xffff;
	_ =	sdelay $0x5  }
0xef: {  	[tilespmem:s17+$0x1C730] =	vst v1;
	v1 =	vld [tilespmem:s17+$0x1A750]  }
0xf0: {  	v0 =	vld.idx.msk [tilespmem:v0+s3+$0x0], $0xffff;
	_ =	sdelay $0x5  }
0xf1: {  	[tilespmem:s17+$0x1C740] =	vst v0;
	v2 =	vld [tilespmem:s17+$0x1A760]  }
0xf2: {  	v0 =	vld.idx.msk [tilespmem:v1+s3+$0x0], $0xffff;
	_ =	sdelay $0x5  }
0xf3: {  	[tilespmem:s17+$0x1C750] =	vst v0;
	v0 =	vld [tilespmem:s17+$0x1A770]  }
0xf4: {  	v1 =	vld.idx.msk [tilespmem:v2+s3+$0x0], $0xffff  }
.Ltmp3:
0xf5: {  	(pc) =	sbr.rel @p0 .LBB2_8-.Ltmp3, $2  }
0xf6: {  	_ =	sdelay $0x2  }
0xf7: {  	s19 =	sshra.s32 s18, $0x2;
	s18 =	sadd.s32 $0x200, s18  }
0xf8: {  	_ =	sdelay $0x1  }
0xf9: {  	v2 =	vld [tilespmem:s19+$0x1A700]  }
0xfa: {  	[tilespmem:s17+$0x1C760] =	vst v1  }
0xfb: {  	v0 =	vld.idx.msk [tilespmem:v0+s3+$0x0], $0xffff;
	_ =	sdelay $0x3  }
0xfc: {  	v1 =	vld [tilespmem:s19+$0x1A710]  }
0xfd: {  	[tilespmem:s17+$0x1C770] =	vst v0  }
0xfe: {  	v0 =	vld.idx.msk [tilespmem:v2+s3+$0x0], $0xffff;
	_ =	sdelay $0x3  }
0xff: {  	v58 =	vld [tilespmem:s19+$0x1A720]  }
0x100: {  	[tilespmem:s19+$0x1C700] =	vst v0  }
0x101: {  	v1 =	vld.idx.msk [tilespmem:v1+s3+$0x0], $0xffff;
	_ =	sdelay $0x3  }
0x102: {  	v59 =	vld [tilespmem:s19+$0x1A730]  }
0x103: {  	[tilespmem:s19+$0x1C710] =	vst v1  }
0x104: {  	v0 =	vld.idx.msk [tilespmem:v58+s3+$0x0], $0xffff;
	_ =	sdelay $0x3  }
0x105: {  	v60 =	vld [tilespmem:s19+$0x1A740]  }
0x106: {  	[tilespmem:s19+$0x1C720] =	vst v0  }
0x107: {  	v1 =	vld.idx.msk [tilespmem:v59+s3+$0x0], $0xffff;
	_ =	sdelay $0x3  }
0x108: {  	v61 =	vld [tilespmem:s19+$0x1A750]  }
0x109: {  	[tilespmem:s19+$0x1C730] =	vst v1  }
0x10a: {  	v0 =	vld.idx.msk [tilespmem:v60+s3+$0x0], $0xffff;
	_ =	sdelay $0x3  }
0x10b: {  	v62 =	vld [tilespmem:s19+$0x1A760]  }
0x10c: {  	[tilespmem:s19+$0x1C740] =	vst v0  }
0x10d: {  	v1 =	vld.idx.msk [tilespmem:v61+s3+$0x0], $0xffff;
	_ =	sdelay $0x3  }
0x10e: {  	v63 =	vld [tilespmem:s19+$0x1A770]  }
0x10f: {  	[tilespmem:s19+$0x1C750] =	vst v1  }
0x110: {  	v0 =	vld.idx.msk [tilespmem:v62+s3+$0x0], $0xffff;
	_ =	sdelay $0x4  }
0x111: {  	[tilespmem:s19+$0x1C760] =	vst v0  }
0x112: {  	v0 =	vld.idx.msk [tilespmem:v63+s3+$0x0], $0xffff;
	_ =	sdelay $0x2  }
0x113: {  	s16 =	sadd.s32 $0x1, s16  }
0x114: {  	p0 =	sne.s32 s16, s10  }
.Ltmp4:
0x115: {  	[tilespmem:s19+$0x1C770] =	vst v0;
	(pc) =	sbr.rel @p0 .LBB2_1-.Ltmp4, $4  }
0x116: {  	[hbm4b:s9+s13] =	stream.strided.scatter [tilespmem:s15], [sflag:$0x1], $0x2000, s14, s13, $0x38;
	[tilespmem:$0x1E700] =	vst v63  }
0x117: {  	_ =	swait.ge [sflag:s12], $0x2000  }
0x118: {  	[sflag:s12] =	ssyncset.done $0x0  }
0x119: {  	[sflag:s12] =	ssyncadd.s32 $0xFFFFE000  }
0x11a: {  	_ =	sfence.sel $0x180000  }
0x11b: {  	[bflag:$0x0] =	sbarrier.arrive $0xFFFF  }
0x11c: {  	p0 =	sne.s32 s2, $0x0;
	_ =	strace $0x90000047  }
0x11d: {  	s0 =	sadd.s32 @!p0 $0x100000, s0;
	[bflag:$0x2] =	sbarrier.arrive $0xFFFF  }
0x11e: {  	[sflag:s0] =	ssyncadd.tile.s32 @!p0 $0x1;
	_ =	shalt  }
.Lfunc_end2:
_tile_overlayer_lowered:
.L_overlay_start_2:
0x11f: {  	(tag) =	ssettag $0x2  }
0x120: {  	s0 =	rddreg [dreg:$0x0];
	s2 =	stileid.u32  }
0x121: {  	s1 =	rddreg [dreg:$0x1];
	p0 =	sne.s32 s2, $0x0  }
0x122: {  	s3 =	rddreg [dreg:$0x2];
	[bflag:$0x3] =	sbarrier.arrive $0xFFFF;
	s2 =	simm.s32 @!p0 $0x1C01  }
0x123: {  	[timem:s3], [sflag:s2] =	dma.local @!p0 [hbm:s0], s1  }
0x124: {  	s0 =	simm.s32 @!p0 $0x1  }
0x125: {  	_ =	swait.ge @!p0 [sflag:s0], s1  }
0x126: {  	s1 =	ssub.s32 @!p0 $0x0, s1;
	[sflag:s0] =	ssyncset.done @!p0 $0x0  }
0x127: {  	[sflag:s0] =	ssyncadd.s32 @!p0 s1  }
0x128: {  	[bflag:$0x3] =	sbarrier.arrive $0xFFFF  }
0x129: {  	_ =	shalt  }

// kernel: kernel.9.cloned.1.call-start
scs
__scs_entry_jumppad:
0x0: {  	(pc) =	sbr.rel $0x88, $3  }
0x1: {  	(tag) =	ssettag $0x0;
	lr =	simm.s32 $0x1  }
0x2: {  	[smem:$0x3F9D] =	sst lr;
	_ =	strace $0xD0000000  }
0x3: {  	_ = 	snop  }
0x4: {  	_ = 	snop  }
0x5: {  	_ = 	snop  }
0x6: {  	_ = 	snop  }
0x7: {  	_ = 	snop  }
__scs_overlays_trampoline_lowered:
0x8: {  	[smem:$0x3FAC] =	sst s0  }
0x9: {  	[smem:$0x3FAD] =	sst s1  }
0xa: {  	[smem:$0x3FAE] =	sst s2  }
0xb: {  	[smem:$0x3FAF] =	sst s3  }
0xc: {  	[smem:$0x3FB0] =	sst s4  }
0xd: {  	[smem:$0x3FB1] =	sst s5  }
0xe: {  	[smem:$0x3FB2] =	sst s6  }
0xf: {  	[smem:$0x3FB3] =	sst s7  }
0x10: {  	[smem:$0x3FB4] =	sst s8  }
0x11: {  	[smem:$0x3FB5] =	sst s9;
	s0 =	simm.s32 @!p0 $0x0  }
0x12: {  	s1 =	sld [smem:$0x3F9B];
	s0 =	simm.s32 @p0 $0x1  }
0x13: {  	[smem:$0x3FB6] =	sst s0;
	s0 =	simm.s32 @!p1 $0x0  }
0x14: {  	s2 =	sld [smem:$0x3F9A];
	s0 =	simm.s32 @p1 $0x1  }
0x15: {  	[smem:$0x3FB7] =	sst s0;
	s0 =	simm.s32 @!p2 $0x0  }
0x16: {  	s3 =	sld [smem:$0x3FDB];
	s0 =	simm.s32 @p2 $0x1  }
0x17: {  	s4 =	simm.s32 $0x1BF5;
	[smem:$0x3FB9] =	sst s0  }
0x18: {  	s0 =	sld [smem:$0x3F9C];
	_ =	swait.ge [sflag:s4], $0x0  }
0x19: {  	s7 =	sld [smem:$0x3F9D]  }
0x1a: {  	s8 =	sadd.s32 $0xFFFFE003, lr  }
0x1b: {  	s9 =	sadd.s32 $0xFFFFFEF7, lr;
	s5 =	simm.s32 $0xFFFFFFFF;
	p2 =	slt.u32 s8, $0xFFFFF086  }
0x1c: {  	p1 =	slt.u32 s9, $0xF7A;
	s5 =	simm.s32 @!p2 $0x0  }
0x1d: {  	s5 =	simm.s32 @p1 $0x1;
	p0 =	seq.s32 s7, s2  }
0x1e: {  	s7 =	smul.u32 @!p0 $0xF7A, s2;
	p2 =	seq.s32 @!p0 s5, $0x0  }
0x1f: {  	s9 =	smul.u32 $0xF7A, s1;
	s8 =	simm.s32 @!p0 $0x1BF5;
	p2 =	por !p2, p0  }
0x20: {  	[sflag:s8] =	ssyncset.s32 @!p0 $0xFFFFF086;
	s6 =	sadd.s32 @!p0 s3, s7;
	s7 =	simm.s32 @!p0 $0x108  }
0x21: {  	s3 =	sadd.s32 s3, s9;
	s6 =	sadd.s32 @!p0 $0x88, s6;
	s7 =	simm.s32 @p2 $0x1082  }
0x22: {  	[simem:s7], [sflag:s8] =	dma.local @!p0 [hbm:s6], $0xF7A  }
0x23: {  	s9 =	sor.u32 $0xD0000000, s2;
	s6 =	simm.s32 $0x108;
	_ =	swait.ge @!p0 [sflag:s8], $0x0  }
0x24: {  	s3 =	sadd.s32 $0x88, s3;
	s6 =	simm.s32 @!p1 $0x1082;
	[sflag:s4] =	ssyncset.s32 $0xFFFFF086  }
0x25: {  	[simem:s6], [sflag:s4] =	dma.local [hbm:s3], $0xF7A  }
0x26: {  	[smem:$0x3F9D] =	sst s1;
	(tag) =	ssettag s2;
	_ =	strace s9  }
0x27: {  	s1 =	sld [smem:$0x3FAD]  }
0x28: {  	s2 =	sld [smem:$0x3FAE]  }
0x29: {  	s4 =	sld [smem:$0x3FB0]  }
0x2a: {  	p0 =	seq.s32 s5, $0x0;
	s5 =	sld [smem:$0x3FB1]  }
0x2b: {  	s6 =	sld [smem:$0x3FB2]  }
0x2c: {  	s7 =	sld [smem:$0x3FB3]  }
0x2d: {  	s3 =	simm.s32 $0x108;
	s8 =	sld [smem:$0x3FB4]  }
0x2e: {  	s3 =	simm.s32 @!p0 $0x1082;
	s9 =	sld [smem:$0x3FB5]  }
0x2f: {  	lr =	sadd.s32 s0, s3;
	s0 =	sld [smem:$0x3FAC]  }
0x30: {  	s3 =	sld [smem:$0x3FAF]  }
0x31: {  	[smem:$0x3FB8] =	sst s10  }
0x32: {  	s10 =	sld [smem:$0x3FB6];
	_ =	sdelay $0x3  }
0x33: {  	p0 =	seq.s32 s10, $0x1;
	s10 =	sld [smem:$0x3FB8];
	_ =	sdelay $0x3  }
0x34: {  	[smem:$0x3FB8] =	sst s10  }
0x35: {  	s10 =	sld [smem:$0x3FB7];
	_ =	sdelay $0x3  }
0x36: {  	p1 =	seq.s32 s10, $0x1;
	s10 =	sld [smem:$0x3FB8];
	_ =	sdelay $0x3  }
0x37: {  	[smem:$0x3FB8] =	sst s10  }
0x38: {  	s10 =	sld [smem:$0x3FB9]  }
0x39: {  	_ = 	snop;
	(pc) =	sbr.ind lr, $3  }
0x3a: {  	_ = 	snop  }
0x3b: {  	_ = 	snop  }
0x3c: {  	p2 =	seq.s32 s10, $0x1;
	s10 =	sld [smem:$0x3FB8]  }
0x3d: {  	_ =	shalt  }
0x3e: {  	_ =	shalt  }
0x3f: {  	_ =	shalt  }
0x40: {  	_ =	shalt  }
0x41: {  	_ =	shalt  }
0x42: {  	_ =	shalt  }
0x43: {  	_ =	shalt  }
0x44: {  	_ =	shalt  }
0x45: {  	_ =	shalt  }
0x46: {  	_ =	shalt  }
0x47: {  	_ =	shalt  }
0x48: {  	_ =	shalt  }
0x49: {  	_ =	shalt  }
0x4a: {  	_ =	shalt  }
0x4b: {  	_ =	shalt  }
0x4c: {  	_ =	shalt  }
0x4d: {  	_ =	shalt  }
0x4e: {  	_ =	shalt  }
0x4f: {  	_ =	shalt  }
0x50: {  	_ =	shalt  }
0x51: {  	_ =	shalt  }
0x52: {  	_ =	shalt  }
0x53: {  	_ =	shalt  }
0x54: {  	_ =	shalt  }
0x55: {  	_ =	shalt  }
0x56: {  	_ =	shalt  }
0x57: {  	_ =	shalt  }
0x58: {  	_ =	shalt  }
0x59: {  	_ =	shalt  }
0x5a: {  	_ =	shalt  }
0x5b: {  	_ =	shalt  }
0x5c: {  	_ =	shalt  }
0x5d: {  	_ =	shalt  }
0x5e: {  	_ =	shalt  }
0x5f: {  	_ =	shalt  }
0x60: {  	_ =	shalt  }
0x61: {  	_ =	shalt  }
0x62: {  	_ =	shalt  }
0x63: {  	_ =	shalt  }
0x64: {  	_ =	shalt  }
0x65: {  	_ =	shalt  }
0x66: {  	_ =	shalt  }
0x67: {  	_ =	shalt  }
0x68: {  	_ =	shalt  }
0x69: {  	_ =	shalt  }
0x6a: {  	_ =	shalt  }
0x6b: {  	_ =	shalt  }
0x6c: {  	_ =	shalt  }
0x6d: {  	_ =	shalt  }
0x6e: {  	_ =	shalt  }
0x6f: {  	_ =	shalt  }
0x70: {  	_ =	shalt  }
0x71: {  	_ =	shalt  }
0x72: {  	_ =	shalt  }
0x73: {  	_ =	shalt  }
0x74: {  	_ =	shalt  }
0x75: {  	_ =	shalt  }
0x76: {  	_ =	shalt  }
0x77: {  	_ =	shalt  }
0x78: {  	_ =	shalt  }
0x79: {  	_ =	shalt  }
0x7a: {  	_ =	shalt  }
0x7b: {  	_ =	shalt  }
0x7c: {  	_ =	shalt  }
0x7d: {  	_ =	shalt  }
0x7e: {  	_ =	shalt  }
0x7f: {  	_ =	shalt  }
0x80: {  	_ =	shalt  }
0x81: {  	_ =	shalt  }
0x82: {  	_ =	shalt  }
0x83: {  	_ =	shalt  }
0x84: {  	_ =	shalt  }
0x85: {  	_ =	shalt  }
0x86: {  	_ =	shalt  }
0x87: {  	_ =	shalt  }
.Lfunc_end0:
.L_simem_size_0:
called_computation.1_lowered:
.L_overlay_start_0:
0x88: {  	s2 =	sld [smem:$0x3FD9]  }
0x89: {  	s3 =	sld [smem:$0x3FFE];
	_ =	sdelay $0x1  }
0x8a: {  	s1 =	srdreg.scid  }
0x8b: {  	s0 =	sand.u32 $0x1, s1  }
0x8c: {  	s17 =	sshll.u32 s0, $0xA;
	s2 =	sadd.s32 s3, s2  }
0x8d: {  	s2 =	sadd.s32 s2, s17  }
0x8e: {  	[smem:$0x3FC4] =	sst s2  }
0x8f: {  	_ = 	snop  }
0x90: {  	s18 =	sld [smem:$0x3FC8]  }
0x91: {  	s4 =	sld [smem:$0x3FC7]  }
0x92: {  	s5 =	sld [smem:$0x3FC6];
	(tm) =	ssettm $0x1  }
0x93: {  	s19 =	sld [smem:$0x3FFB];
	_ =	sdelay $0x3  }
0x94: {  	_ =	strace s19  }
0x95: {  	s2 =	sld [smem:$0x3FFC];
	_ =	sdelay $0x3  }
0x96: {  	_ =	strace s2  }
0x97: {  	s2 =	sld [smem:$0x3FFD];
	_ =	sdelay $0x3  }
0x98: {  	_ =	strace s2  }
0x99: {  	_ =	strace $0x8FFFFFFF  }
0x9a: {  	s20 =	sld [smem:$0x3FDB];
	_ =	sdelay $0x1  }
0x9b: {  	s6 =	simm.s32 $_scs_section_size  }
0x9c: {  	s7 =	simm.s32 $_size__tile_overlayer_lowered;
	s8 =	simm.s32 $_tile_overlayer_lowered  }
0x9d: {  	s9 =	simm.s32 $0x1BFF;
	s21 =	sshll.u32 s8, $0x1;
	s6 =	sadd.s32 s6, s20  }
0x9e: {  	s22 =	simm.s32 $0x0;
	s7 =	sshll.u32 s7, $0x1;
	s8 =	sadd.s32 s21, s6  }
0x9f: {  	[timem:s22], [sflag:s9] =	dma.local [hbm:s8], s7  }
0xa0: {  	_ =	swait.ge [sflag:s9], s7  }
0xa1: {  	s7 =	ssub.s32 $0x0, s7;
	[sflag:s9] =	ssyncset.done $0x0  }
0xa2: {  	[sflag:s9] =	ssyncadd.s32 s7;
	_ =	sdelay $0x1  }
0xa3: {  	s23 =	simm.s32 $0x1B8B  }
0xa4: {  	_ =	swait.ge [sflag:s23], $0x1  }
0xa5: {  	[sflag:s23] =	ssyncset.done $0x0  }
0xa6: {  	[sflag:s23] =	ssyncadd.s32 $0xFFFFFFFF  }
0xa7: {  	s7 =	sld [smem:$0x0]  }
0xa8: {  	s8 =	sand.u32 $0xFFFFFFFE, s1  }
0xa9: {  	p0 =	sne.s32 s1, s8  }
0xaa: {  	s8 =	sshll.u32 @p0 s8, $0xE  }
0xab: {  	s8 =	sadd.s32 @p0 $0x11B8D, s8;
	s9 =	sshll.u32 @p0 s7, $0x11  }
0xac: {  	s8 =	sor.u32 @p0 s9, s8  }
0xad: {  	[sflag:s8] =	ssyncadd.remote.s32 @p0 $0x1;
	_ =	sdelay $0x1  }
0xae: {  	s8 =	simm.s32 @p0 $0x1B8D  }
0xaf: {  	_ =	swait.eq @p0 [sflag:s8], $0x1  }
0xb0: {  	[sflag:s8] =	ssyncadd.s32 @p0 $0xFFFFFFFF  }
0xb1: {  	s9 =	sshll.u32 @!p0 s1, $0xE  }
0xb2: {  	s9 =	sor.u32 @!p0 $0x4000, s9;
	s8 =	simm.s32 @!p0 $0x1B8D  }
0xb3: {  	s7 =	sshll.u32 @!p0 s7, $0x11;
	s9 =	sadd.s32 @!p0 $0x11B8D, s9;
	_ =	swait.eq @!p0 [sflag:s8], $0x1  }
0xb4: {  	s7 =	sor.u32 @!p0 s7, s9;
	[sflag:s8] =	ssyncadd.s32 @!p0 $0xFFFFFFFF  }
0xb5: {  	s25 =	simm.s32 $0x1B8E;
	s24 =	sld [smem:$0x3FFE];
	[sflag:s7] =	ssyncadd.remote.s32 @!p0 $0x1  }
0xb6: {  	s26 =	simm.s32 $execute0_lowered;
	[smem:$0x3FD2] =	sst s25  }
0xb7: {  	s8 =	sshll.u32 s26, $0x1;
	_ =	strace $0x80000049;
	[dreg:$0x1] =	wrdreg $0xFFFFFFFF  }
0xb8: {  	s28 =	simm.s32 $_size_execute0_lowered;
	s6 =	sadd.s32 s6, s8;
	[dreg:$0x0] =	wrdreg $0x0  }
0xb9: {  	s8 =	sshll.u32 s28, $0x1;
	[dreg:$0x2] =	wrdreg s6  }
0xba: {  	[dreg:$0x3] =	wrdreg s8  }
0xbb: {  	[dreg:$0x4] =	wrdreg $0xC0  }
0xbc: {  	_ =	task [dreg:s22], $0x5FFFF  }
0xbd: {  	[dreg:$0x1] =	wrdreg $0xFFFFFFFF  }
0xbe: {  	[dreg:$0x0] =	wrdreg $0x60  }
0xbf: {  	[dreg:$0x2] =	wrdreg s4  }
0xc0: {  	[dreg:$0x3] =	wrdreg s5  }
0xc1: {  	[dreg:$0x4] =	wrdreg s18  }
0xc2: {  	[dreg:$0x5] =	wrdreg s24  }
0xc3: {  	[dreg:$0x6] =	wrdreg $0xA  }
0xc4: {  	_ =	task.clear_ibuf [dreg:s22], $0x7FFFF;
	_ =	strace $0x90000049  }
0xc5: {  	s29 =	simm.s32 $0xA;
	_ =	strace $0x8000004B  }
0xc6: {  	_ =	swait.ge [sflag:s29], $0x1  }
0xc7: {  	[sflag:s29] =	ssyncadd.s32 $0xFFFFFFFF  }
0xc8: {  	_ =	strace $0x9000004B  }
0xc9: {  	_ =	sfence  }
0xca: {  	s30 =	sld [smem:$0x0];
	_ =	sdelay $0x2  }
0xcb: {  	s31 =	sshll.u32 s1, $0xD;
	s1 =	sshrl.u32 s1, $0x2  }
0xcc: {  	s4 =	sand.u32 $0x4000, s31;
	s1 =	sadd.s32 s1, s30  }
0xcd: {  	s0 =	sor.u32 s4, s0;
	s1 =	sshll.u32 s1, $0x11  }
0xce: {  	s0 =	sor.u32 s1, s0  }
0xcf: {  	s0 =	sadd.s32 $0x8F2B, s0  }
0xd0: {  	[sflag:s0] =	ssyncadd.remote.s32 $0x1  }
0xd1: {  	_ =	sfence.sel $0xFFFF  }
0xd2: {  	[dreg:$0x0] =	wrdreg $0xFFFFFFFF;
	(pc) =	sbr.abs _section_cstart, $3  }
0xd3: {  	[dreg:$0x1] =	wrdreg $0xFFFFFFFF  }
0xd4: {  	_ =	task.clear_ibuf [dreg:s22], $0x2FFFF;
	_ =	strace $0x9FFFFFFF  }
0xd5: {  	(tm) =	ssettm $0x7FFFFFFF  }
tec
execute0_lowered:
.L_overlay_start_1:
0x0: {  	(tag) =	ssettag $0x1  }
0x1: {  	s4 =	rddreg [dreg:$0x0]  }
0x2: {  	s7 =	rddreg [dreg:$0x1]  }
0x3: {  	s1 =	rddreg [dreg:$0x2]  }
0x4: {  	s5 =	rddreg [dreg:$0x3]  }
0x5: {  	s0 =	rddreg [dreg:$0x4];
	s3 =	simm.s32 $0x0;
	s6 =	srdreg.scid  }
0x6: {  	s2 =	stileid.u32;
	s14 =	simm.s32 $0x400;
	s15 =	simm.s32 $0x1C700  }
0x7: {  	s16 =	simm.s32 $0x0;
	[smem:$0x7FF] =	sst s3;
	s6 =	sand.u32 $0x1, s6  }
0x8: {  	s8 =	sshrl.u32 s2, $0x2;
	s9 =	sshll.u32 s2, $0x8;
	s11 =	sadd.s32 $0x12800, s5  }
0x9: {  	s25 =	sshll.u32 s2, $0xF;
	s12 =	sadd.s32 $0x22800, s5;
	_ =	strace $0x8000004A  }
0xa: {  	s8 =	smul.u32 $0xC3800, s8;
	s10 =	sshll.u32 s6, $0x7;
	s9 =	sand.u32 $0x300, s9  }
0xb: {  	s28 =	sand.u32 $0x60000, s25;
	s6 =	ssub.s32 $0x2, s6;
	s9 =	sor.u32 s10, s9  }
0xc: {  	s29 =	sshrl.u32 s6, $0x1;
	s26 =	sor.u32 s9, s8;
	s8 =	sor.u32 s28, s9  }
0xd: {  	s13 =	ssub.s32 s6, s29;
	s5 =	sadd.s32 $0x30E000, s26;
	s8 =	sshrl.u32 s8, $0x3  }
0xe: {  	s10 =	smax.u32 s13, $0x1;
	s13 =	simm.s32 $0x80;
	s30 =	sshrl.u32 s5, $0x3  }
0xf: {  	s31 =	sor.u32 $0x2000, s8;
	s5 =	sadd.s32 s11, s8;
	s8 =	sadd.s32 s12, s8  }
0x10: {  	s4 =	sadd.s32 s4, s30;
	s6 =	sadd.s32 s11, s31;
	s7 =	sadd.s32 s7, s30  }
0x11: {  	s9 =	sadd.s32 s12, s31;
	s11 =	simm.s32 $0x18700;
	s12 =	simm.s32 $0x1  }
.LBB2_1:
0x12: {  	[tilespmem:s11], [sflag:$0x1] =	stream.linear.gather [hbm4b:s1+s3], $0x4000, $0x38;
	[tilespmem:$0x1E700] =	vst v63  }
0x13: {  	_ =	swait.ge [sflag:s12], $0x4000  }
0x14: {  	[sflag:s12] =	ssyncset.done $0x0  }
0x15: {  	[sflag:s12] =	ssyncadd.s32 $0xFFFFC000  }
0x16: {  	[tilespmem:s3], [sflag:$0x1] =	stream.strided.gather [hbm4b:s4+s13], $0x18700, s14, s13, $0x38;
	[tilespmem:$0x1E700] =	vst v63  }
0x17: {  	_ =	swait.ge [sflag:s12], $0x18700  }
0x18: {  	[sflag:s12] =	ssyncset.done $0x0  }
0x19: {  	s17 =	simm.s32 $0x0;
	[sflag:s12] =	ssyncadd.s32 $0xFFFE7900  }
0x1a: {  	v0 =	vld [tilespmem:s17+$0x18700];
	_ =	sdelay $0x5  }
0x1b: {  	v1 =	vld [tilespmem:s17+$0x18710];
	_ =	sdelay $0x1  }
0x1c: {  	v0 =	vld.idx.msk [tilespmem:v0+s3+$0x0], $0xffff;
	_ =	sdelay $0x4  }
0x1d: {  	[tilespmem:s17+$0x1C700] =	vst v0;
	v0 =	vld [tilespmem:s17+$0x18720]  }
0x1e: {  	v1 =	vld.idx.msk [tilespmem:v1+s3+$0x0], $0xffff;
	_ =	sdelay $0x4  }
0x1f: {  	[tilespmem:s17+$0x1C710] =	vst v1;
	v1 =	vld [tilespmem:s17+$0x18730];
	_ =	sdelay $0x1  }
0x20: {  	v0 =	vld.idx.msk [tilespmem:v0+s3+$0x0], $0xffff;
	_ =	sdelay $0x4  }
0x21: {  	[tilespmem:s17+$0x1C720] =	vst v0;
	v0 =	vld [tilespmem:s17+$0x18740]  }
0x22: {  	v1 =	vld.idx.msk [tilespmem:v1+s3+$0x0], $0xffff;
	_ =	sdelay $0x4  }
0x23: {  	[tilespmem:s17+$0x1C730] =	vst v1;
	v1 =	vld [tilespmem:s17+$0x18750];
	_ =	sdelay $0x1  }
0x24: {  	v0 =	vld.idx.msk [tilespmem:v0+s3+$0x0], $0xffff;
	_ =	sdelay $0x4  }
0x25: {  	v2 =	vld [tilespmem:s17+$0x18760];
	[tilespmem:s17+$0x1C740] =	vst v0  }
0x26: {  	v0 =	vld.idx.msk [tilespmem:v1+s3+$0x0], $0xffff;
	_ =	sdelay $0x4  }
0x27: {  	[tilespmem:s17+$0x1C750] =	vst v0;
	v0 =	vld [tilespmem:s17+$0x18770];
	_ =	sdelay $0x1  }
0x28: {  	v1 =	vld.idx.msk [tilespmem:v2+s3+$0x0], $0xffff;
	_ =	sdelay $0x3  }
0x29: {  	s19 =	simm.s32 $0x80;
	s18 =	simm.s32 $0x400  }
.LBB2_2:
0x2a: {  	p0 =	sne.s32 s18, $0x7E00;
	v2 =	vld [tilespmem:s19+$0x18700];
	[tilespmem:s17+$0x1C760] =	vst v1  }
0x2b: {  	v0 =	vld.idx.msk [tilespmem:v0+s3+$0x0], $0xffff;
	_ =	sdelay $0x5  }
0x2c: {  	v1 =	vld [tilespmem:s19+$0x18710];
	[tilespmem:s17+$0x1C770] =	vst v0;
	s17 =	smov.u32 s19  }
0x2d: {  	v0 =	vld.idx.msk [tilespmem:v2+s3+$0x0], $0xffff;
	_ =	sdelay $0x5  }
0x2e: {  	[tilespmem:s17+$0x1C700] =	vst v0;
	v0 =	vld [tilespmem:s17+$0x18720]  }
0x2f: {  	v1 =	vld.idx.msk [tilespmem:v1+s3+$0x0], $0xffff;
	_ =	sdelay $0x5  }
0x30: {  	[tilespmem:s17+$0x1C710] =	vst v1;
	v1 =	vld [tilespmem:s17+$0x18730]  }
0x31: {  	v0 =	vld.idx.msk [tilespmem:v0+s3+$0x0], $0xffff;
	_ =	sdelay $0x5  }
0x32: {  	[tilespmem:s17+$0x1C720] =	vst v0;
	v0 =	vld [tilespmem:s17+$0x18740]  }
0x33: {  	v1 =	vld.idx.msk [tilespmem:v1+s3+$0x0], $0xffff;
	_ =	sdelay $0x5  }
0x34: {  	[tilespmem:s17+$0x1C730] =	vst v1;
	v1 =	vld [tilespmem:s17+$0x18750]  }
0x35: {  	v0 =	vld.idx.msk [tilespmem:v0+s3+$0x0], $0xffff;
	_ =	sdelay $0x5  }
0x36: {  	[tilespmem:s17+$0x1C740] =	vst v0;
	v2 =	vld [tilespmem:s17+$0x18760]  }
0x37: {  	v0 =	vld.idx.msk [tilespmem:v1+s3+$0x0], $0xffff;
	_ =	sdelay $0x5  }
0x38: {  	[tilespmem:s17+$0x1C750] =	vst v0;
	v0 =	vld [tilespmem:s17+$0x18770]  }
0x39: {  	v1 =	vld.idx.msk [tilespmem:v2+s3+$0x0], $0xffff  }
.Ltmp0:
0x3a: {  	(pc) =	sbr.rel @p0 .LBB2_2-.Ltmp0, $2  }
0x3b: {  	_ =	sdelay $0x2  }
0x3c: {  	s19 =	sshra.s32 s18, $0x2;
	s18 =	sadd.s32 $0x200, s18  }
0x3d: {  	_ =	sdelay $0x1  }
0x3e: {  	v2 =	vld [tilespmem:s19+$0x18700]  }
0x3f: {  	[tilespmem:s17+$0x1C760] =	vst v1  }
0x40: {  	v0 =	vld.idx.msk [tilespmem:v0+s3+$0x0], $0xffff;
	_ =	sdelay $0x3  }
0x41: {  	v1 =	vld [tilespmem:s19+$0x18710]  }
0x42: {  	[tilespmem:s17+$0x1C770] =	vst v0  }
0x43: {  	v0 =	vld.idx.msk [tilespmem:v2+s3+$0x0], $0xffff;
	_ =	sdelay $0x4  }
0x44: {  	[tilespmem:s19+$0x1C700] =	vst v0;
	v0 =	vld [tilespmem:s19+$0x18720]  }
0x45: {  	v1 =	vld.idx.msk [tilespmem:v1+s3+$0x0], $0xffff;
	_ =	sdelay $0x4  }
0x46: {  	[tilespmem:s19+$0x1C710] =	vst v1;
	v1 =	vld [tilespmem:s19+$0x18730];
	_ =	sdelay $0x1  }
0x47: {  	v0 =	vld.idx.msk [tilespmem:v0+s3+$0x0], $0xffff;
	_ =	sdelay $0x4  }
0x48: {  	[tilespmem:s19+$0x1C720] =	vst v0;
	v0 =	vld [tilespmem:s19+$0x18740]  }
0x49: {  	v1 =	vld.idx.msk [tilespmem:v1+s3+$0x0], $0xffff;
	_ =	sdelay $0x4  }
0x4a: {  	[tilespmem:s19+$0x1C730] =	vst v1;
	v1 =	vld [tilespmem:s19+$0x18750];
	_ =	sdelay $0x1  }
0x4b: {  	v0 =	vld.idx.msk [tilespmem:v0+s3+$0x0], $0xffff;
	_ =	sdelay $0x4  }
0x4c: {  	[tilespmem:s19+$0x1C740] =	vst v0;
	v0 =	vld [tilespmem:s19+$0x18760]  }
0x4d: {  	v1 =	vld.idx.msk [tilespmem:v1+s3+$0x0], $0xffff;
	_ =	sdelay $0x4  }
0x4e: {  	[tilespmem:s19+$0x1C750] =	vst v1;
	v1 =	vld [tilespmem:s19+$0x18770];
	_ =	sdelay $0x1  }
0x4f: {  	v0 =	vld.idx.msk [tilespmem:v0+s3+$0x0], $0xffff;
	_ =	sdelay $0x4  }
0x50: {  	[tilespmem:s19+$0x1C760] =	vst v0  }
0x51: {  	v0 =	vld.idx.msk [tilespmem:v1+s3+$0x0], $0xffff;
	_ =	sdelay $0x4  }
0x52: {  	[tilespmem:s19+$0x1C770] =	vst v0  }
0x53: {  	[hbm4b:s5+s13] =	stream.strided.scatter [tilespmem:s15], [sflag:$0x1], $0x2000, s14, s13, $0x38;
	[tilespmem:$0x1E700] =	vst v63  }
0x54: {  	_ =	swait.ge [sflag:s12], $0x2000  }
0x55: {  	[sflag:s12] =	ssyncset.done $0x0  }
0x56: {  	s17 =	simm.s32 $0x0;
	[sflag:s12] =	ssyncadd.s32 $0xFFFFE000  }
0x57: {  	v0 =	vld [tilespmem:s17+$0x1A700];
	_ =	sdelay $0x5  }
0x58: {  	v1 =	vld [tilespmem:s17+$0x1A710];
	_ =	sdelay $0x1  }
0x59: {  	v0 =	vld.idx.msk [tilespmem:v0+s3+$0x0], $0xffff;
	_ =	sdelay $0x4  }
0x5a: {  	[tilespmem:s17+$0x1C700] =	vst v0;
	v0 =	vld [tilespmem:s17+$0x1A720]  }
0x5b: {  	v1 =	vld.idx.msk [tilespmem:v1+s3+$0x0], $0xffff;
	_ =	sdelay $0x4  }
0x5c: {  	[tilespmem:s17+$0x1C710] =	vst v1;
	v1 =	vld [tilespmem:s17+$0x1A730];
	_ =	sdelay $0x1  }
0x5d: {  	v0 =	vld.idx.msk [tilespmem:v0+s3+$0x0], $0xffff;
	_ =	sdelay $0x4  }
0x5e: {  	[tilespmem:s17+$0x1C720] =	vst v0;
	v0 =	vld [tilespmem:s17+$0x1A740]  }
0x5f: {  	v1 =	vld.idx.msk [tilespmem:v1+s3+$0x0], $0xffff;
	_ =	sdelay $0x4  }
0x60: {  	[tilespmem:s17+$0x1C730] =	vst v1;
	v1 =	vld [tilespmem:s17+$0x1A750];
	_ =	sdelay $0x1  }
0x61: {  	v0 =	vld.idx.msk [tilespmem:v0+s3+$0x0], $0xffff;
	_ =	sdelay $0x4  }
0x62: {  	v2 =	vld [tilespmem:s17+$0x1A760];
	[tilespmem:s17+$0x1C740] =	vst v0  }
0x63: {  	v0 =	vld.idx.msk [tilespmem:v1+s3+$0x0], $0xffff;
	_ =	sdelay $0x4  }
0x64: {  	[tilespmem:s17+$0x1C750] =	vst v0;
	v0 =	vld [tilespmem:s17+$0x1A770];
	_ =	sdelay $0x1  }
0x65: {  	v1 =	vld.idx.msk [tilespmem:v2+s3+$0x0], $0xffff;
	_ =	sdelay $0x3  }
0x66: {  	s18 =	simm.s32 $0x400;
	s19 =	simm.s32 $0x80  }
.LBB2_4:
0x67: {  	p0 =	sne.s32 s18, $0x7E00;
	v2 =	vld [tilespmem:s19+$0x1A700];
	[tilespmem:s17+$0x1C760] =	vst v1  }
0x68: {  	v0 =	vld.idx.msk [tilespmem:v0+s3+$0x0], $0xffff;
	_ =	sdelay $0x5  }
0x69: {  	v1 =	vld [tilespmem:s19+$0x1A710];
	[tilespmem:s17+$0x1C770] =	vst v0;
	s17 =	smov.u32 s19  }
0x6a: {  	v0 =	vld.idx.msk [tilespmem:v2+s3+$0x0], $0xffff;
	_ =	sdelay $0x5  }
0x6b: {  	[tilespmem:s17+$0x1C700] =	vst v0;
	v0 =	vld [tilespmem:s17+$0x1A720]  }
0x6c: {  	v1 =	vld.idx.msk [tilespmem:v1+s3+$0x0], $0xffff;
	_ =	sdelay $0x5  }
0x6d: {  	[tilespmem:s17+$0x1C710] =	vst v1;
	v1 =	vld [tilespmem:s17+$0x1A730]  }
0x6e: {  	v0 =	vld.idx.msk [tilespmem:v0+s3+$0x0], $0xffff;
	_ =	sdelay $0x5  }
0x6f: {  	[tilespmem:s17+$0x1C720] =	vst v0;
	v0 =	vld [tilespmem:s17+$0x1A740]  }
0x70: {  	v1 =	vld.idx.msk [tilespmem:v1+s3+$0x0], $0xffff;
	_ =	sdelay $0x5  }
0x71: {  	[tilespmem:s17+$0x1C730] =	vst v1;
	v1 =	vld [tilespmem:s17+$0x1A750]  }
0x72: {  	v0 =	vld.idx.msk [tilespmem:v0+s3+$0x0], $0xffff;
	_ =	sdelay $0x5  }
0x73: {  	[tilespmem:s17+$0x1C740] =	vst v0;
	v2 =	vld [tilespmem:s17+$0x1A760]  }
0x74: {  	v0 =	vld.idx.msk [tilespmem:v1+s3+$0x0], $0xffff;
	_ =	sdelay $0x5  }
0x75: {  	[tilespmem:s17+$0x1C750] =	vst v0;
	v0 =	vld [tilespmem:s17+$0x1A770]  }
0x76: {  	v1 =	vld.idx.msk [tilespmem:v2+s3+$0x0], $0xffff  }
.Ltmp1:
0x77: {  	(pc) =	sbr.rel @p0 .LBB2_4-.Ltmp1, $2  }
0x78: {  	_ =	sdelay $0x2  }
0x79: {  	s19 =	sshra.s32 s18, $0x2;
	s18 =	sadd.s32 $0x200, s18  }
0x7a: {  	_ =	sdelay $0x1  }
0x7b: {  	v2 =	vld [tilespmem:s19+$0x1A700]  }
0x7c: {  	[tilespmem:s17+$0x1C760] =	vst v1  }
0x7d: {  	v0 =	vld.idx.msk [tilespmem:v0+s3+$0x0], $0xffff;
	_ =	sdelay $0x3  }
0x7e: {  	v1 =	vld [tilespmem:s19+$0x1A710]  }
0x7f: {  	[tilespmem:s17+$0x1C770] =	vst v0  }
0x80: {  	v0 =	vld.idx.msk [tilespmem:v2+s3+$0x0], $0xffff;
	_ =	sdelay $0x4  }
0x81: {  	[tilespmem:s19+$0x1C700] =	vst v0;
	v0 =	vld [tilespmem:s19+$0x1A720]  }
0x82: {  	v1 =	vld.idx.msk [tilespmem:v1+s3+$0x0], $0xffff;
	_ =	sdelay $0x4  }
0x83: {  	[tilespmem:s19+$0x1C710] =	vst v1;
	v1 =	vld [tilespmem:s19+$0x1A730];
	_ =	sdelay $0x1  }
0x84: {  	v0 =	vld.idx.msk [tilespmem:v0+s3+$0x0], $0xffff;
	_ =	sdelay $0x4  }
0x85: {  	[tilespmem:s19+$0x1C720] =	vst v0;
	v0 =	vld [tilespmem:s19+$0x1A740]  }
0x86: {  	v1 =	vld.idx.msk [tilespmem:v1+s3+$0x0], $0xffff;
	_ =	sdelay $0x4  }
0x87: {  	[tilespmem:s19+$0x1C730] =	vst v1;
	v1 =	vld [tilespmem:s19+$0x1A750];
	_ =	sdelay $0x1  }
0x88: {  	v0 =	vld.idx.msk [tilespmem:v0+s3+$0x0], $0xffff;
	_ =	sdelay $0x4  }
0x89: {  	[tilespmem:s19+$0x1C740] =	vst v0;
	v0 =	vld [tilespmem:s19+$0x1A760]  }
0x8a: {  	v1 =	vld.idx.msk [tilespmem:v1+s3+$0x0], $0xffff;
	_ =	sdelay $0x4  }
0x8b: {  	[tilespmem:s19+$0x1C750] =	vst v1;
	v1 =	vld [tilespmem:s19+$0x1A770];
	_ =	sdelay $0x1  }
0x8c: {  	v0 =	vld.idx.msk [tilespmem:v0+s3+$0x0], $0xffff;
	_ =	sdelay $0x4  }
0x8d: {  	[tilespmem:s19+$0x1C760] =	vst v0  }
0x8e: {  	v0 =	vld.idx.msk [tilespmem:v1+s3+$0x0], $0xffff;
	_ =	sdelay $0x4  }
0x8f: {  	[tilespmem:s19+$0x1C770] =	vst v0  }
0x90: {  	[hbm4b:s6+s13] =	stream.strided.scatter [tilespmem:s15], [sflag:$0x1], $0x2000, s14, s13, $0x38;
	[tilespmem:$0x1E700] =	vst v63  }
0x91: {  	_ =	swait.ge [sflag:s12], $0x2000  }
0x92: {  	[sflag:s12] =	ssyncset.done $0x0  }
0x93: {  	s31 =	simm.s32 $0x0;
	[sflag:s12] =	ssyncadd.s32 $0xFFFFE000  }
0x94: {  	[tilespmem:s31], [sflag:$0x1] =	stream.strided.gather [hbm4b:s7+s13], $0x18700, s14, s13, $0x38;
	[tilespmem:$0x1E700] =	vst v63  }
0x95: {  	_ =	swait.ge [sflag:s12], $0x18700  }
0x96: {  	[sflag:s12] =	ssyncset.done $0x0  }
0x97: {  	s17 =	simm.s32 $0x0;
	[sflag:s12] =	ssyncadd.s32 $0xFFFE7900  }
0x98: {  	v0 =	vld [tilespmem:s17+$0x18700];
	_ =	sdelay $0x5  }
0x99: {  	v1 =	vld [tilespmem:s17+$0x18710];
	_ =	sdelay $0x1  }
0x9a: {  	v0 =	vld.idx.msk [tilespmem:v0+s3+$0x0], $0xffff;
	_ =	sdelay $0x4  }
0x9b: {  	[tilespmem:s17+$0x1C700] =	vst v0;
	v0 =	vld [tilespmem:s17+$0x18720]  }
0x9c: {  	v1 =	vld.idx.msk [tilespmem:v1+s3+$0x0], $0xffff;
	_ =	sdelay $0x4  }
0x9d: {  	[tilespmem:s17+$0x1C710] =	vst v1;
	v1 =	vld [tilespmem:s17+$0x18730];
	_ =	sdelay $0x1  }
0x9e: {  	v0 =	vld.idx.msk [tilespmem:v0+s3+$0x0], $0xffff;
	_ =	sdelay $0x4  }
0x9f: {  	[tilespmem:s17+$0x1C720] =	vst v0;
	v0 =	vld [tilespmem:s17+$0x18740]  }
0xa0: {  	v1 =	vld.idx.msk [tilespmem:v1+s3+$0x0], $0xffff;
	_ =	sdelay $0x4  }
0xa1: {  	[tilespmem:s17+$0x1C730] =	vst v1;
	v1 =	vld [tilespmem:s17+$0x18750];
	_ =	sdelay $0x1  }
0xa2: {  	v0 =	vld.idx.msk [tilespmem:v0+s3+$0x0], $0xffff;
	_ =	sdelay $0x4  }
0xa3: {  	v2 =	vld [tilespmem:s17+$0x18760];
	[tilespmem:s17+$0x1C740] =	vst v0  }
0xa4: {  	v0 =	vld.idx.msk [tilespmem:v1+s3+$0x0], $0xffff;
	_ =	sdelay $0x4  }
0xa5: {  	[tilespmem:s17+$0x1C750] =	vst v0;
	v0 =	vld [tilespmem:s17+$0x18770];
	_ =	sdelay $0x1  }
0xa6: {  	v1 =	vld.idx.msk [tilespmem:v2+s3+$0x0], $0xffff;
	_ =	sdelay $0x3  }
0xa7: {  	s18 =	simm.s32 $0x400;
	s19 =	simm.s32 $0x80  }
.LBB2_6:
0xa8: {  	p0 =	sne.s32 s18, $0x7E00;
	v2 =	vld [tilespmem:s19+$0x18700];
	[tilespmem:s17+$0x1C760] =	vst v1  }
0xa9: {  	v0 =	vld.idx.msk [tilespmem:v0+s3+$0x0], $0xffff;
	_ =	sdelay $0x5  }
0xaa: {  	v1 =	vld [tilespmem:s19+$0x18710];
	[tilespmem:s17+$0x1C770] =	vst v0;
	s17 =	smov.u32 s19  }
0xab: {  	v0 =	vld.idx.msk [tilespmem:v2+s3+$0x0], $0xffff;
	_ =	sdelay $0x5  }
0xac: {  	[tilespmem:s17+$0x1C700] =	vst v0;
	v0 =	vld [tilespmem:s17+$0x18720]  }
0xad: {  	v1 =	vld.idx.msk [tilespmem:v1+s3+$0x0], $0xffff;
	_ =	sdelay $0x5  }
0xae: {  	[tilespmem:s17+$0x1C710] =	vst v1;
	v1 =	vld [tilespmem:s17+$0x18730]  }
0xaf: {  	v0 =	vld.idx.msk [tilespmem:v0+s3+$0x0], $0xffff;
	_ =	sdelay $0x5  }
0xb0: {  	[tilespmem:s17+$0x1C720] =	vst v0;
	v0 =	vld [tilespmem:s17+$0x18740]  }
0xb1: {  	v1 =	vld.idx.msk [tilespmem:v1+s3+$0x0], $0xffff;
	_ =	sdelay $0x5  }
0xb2: {  	[tilespmem:s17+$0x1C730] =	vst v1;
	v1 =	vld [tilespmem:s17+$0x18750]  }
0xb3: {  	v0 =	vld.idx.msk [tilespmem:v0+s3+$0x0], $0xffff;
	_ =	sdelay $0x5  }
0xb4: {  	[tilespmem:s17+$0x1C740] =	vst v0;
	v2 =	vld [tilespmem:s17+$0x18760]  }
0xb5: {  	v0 =	vld.idx.msk [tilespmem:v1+s3+$0x0], $0xffff;
	_ =	sdelay $0x5  }
0xb6: {  	[tilespmem:s17+$0x1C750] =	vst v0;
	v0 =	vld [tilespmem:s17+$0x18770]  }
0xb7: {  	v1 =	vld.idx.msk [tilespmem:v2+s3+$0x0], $0xffff  }
.Ltmp2:
0xb8: {  	(pc) =	sbr.rel @p0 .LBB2_6-.Ltmp2, $2  }
0xb9: {  	_ =	sdelay $0x2  }
0xba: {  	s19 =	sshra.s32 s18, $0x2;
	s18 =	sadd.s32 $0x200, s18  }
0xbb: {  	_ =	sdelay $0x1  }
0xbc: {  	v2 =	vld [tilespmem:s19+$0x18700]  }
0xbd: {  	[tilespmem:s17+$0x1C760] =	vst v1  }
0xbe: {  	v0 =	vld.idx.msk [tilespmem:v0+s3+$0x0], $0xffff;
	_ =	sdelay $0x3  }
0xbf: {  	v1 =	vld [tilespmem:s19+$0x18710]  }
0xc0: {  	[tilespmem:s17+$0x1C770] =	vst v0  }
0xc1: {  	v0 =	vld.idx.msk [tilespmem:v2+s3+$0x0], $0xffff;
	_ =	sdelay $0x4  }
0xc2: {  	[tilespmem:s19+$0x1C700] =	vst v0;
	v0 =	vld [tilespmem:s19+$0x18720]  }
0xc3: {  	v1 =	vld.idx.msk [tilespmem:v1+s3+$0x0], $0xffff;
	_ =	sdelay $0x4  }
0xc4: {  	[tilespmem:s19+$0x1C710] =	vst v1;
	v1 =	vld [tilespmem:s19+$0x18730];
	_ =	sdelay $0x1  }
0xc5: {  	v0 =	vld.idx.msk [tilespmem:v0+s3+$0x0], $0xffff;
	_ =	sdelay $0x4  }
0xc6: {  	[tilespmem:s19+$0x1C720] =	vst v0;
	v0 =	vld [tilespmem:s19+$0x18740]  }
0xc7: {  	v1 =	vld.idx.msk [tilespmem:v1+s3+$0x0], $0xffff;
	_ =	sdelay $0x4  }
0xc8: {  	[tilespmem:s19+$0x1C730] =	vst v1;
	v1 =	vld [tilespmem:s19+$0x18750];
	_ =	sdelay $0x1  }
0xc9: {  	v0 =	vld.idx.msk [tilespmem:v0+s3+$0x0], $0xffff;
	_ =	sdelay $0x4  }
0xca: {  	[tilespmem:s19+$0x1C740] =	vst v0;
	v0 =	vld [tilespmem:s19+$0x18760]  }
0xcb: {  	v1 =	vld.idx.msk [tilespmem:v1+s3+$0x0], $0xffff;
	_ =	sdelay $0x4  }
0xcc: {  	[tilespmem:s19+$0x1C750] =	vst v1;
	v1 =	vld [tilespmem:s19+$0x18770];
	_ =	sdelay $0x1  }
0xcd: {  	v0 =	vld.idx.msk [tilespmem:v0+s3+$0x0], $0xffff;
	_ =	sdelay $0x4  }
0xce: {  	[tilespmem:s19+$0x1C760] =	vst v0  }
0xcf: {  	v0 =	vld.idx.msk [tilespmem:v1+s3+$0x0], $0xffff;
	_ =	sdelay $0x4  }
0xd0: {  	[tilespmem:s19+$0x1C770] =	vst v0  }
0xd1: {  	[hbm4b:s8+s13] =	stream.strided.scatter [tilespmem:s15], [sflag:$0x1], $0x2000, s14, s13, $0x38;
	[tilespmem:$0x1E700] =	vst v63  }
0xd2: {  	_ =	swait.ge [sflag:s12], $0x2000  }
0xd3: {  	[sflag:s12] =	ssyncset.done $0x0  }
0xd4: {  	s17 =	simm.s32 $0x0;
	[sflag:s12] =	ssyncadd.s32 $0xFFFFE000  }
0xd5: {  	v0 =	vld [tilespmem:s17+$0x1A700];
	_ =	sdelay $0x5  }
0xd6: {  	v1 =	vld [tilespmem:s17+$0x1A710];
	_ =	sdelay $0x1  }
0xd7: {  	v0 =	vld.idx.msk [tilespmem:v0+s3+$0x0], $0xffff;
	_ =	sdelay $0x4  }
0xd8: {  	[tilespmem:s17+$0x1C700] =	vst v0;
	v0 =	vld [tilespmem:s17+$0x1A720]  }
0xd9: {  	v1 =	vld.idx.msk [tilespmem:v1+s3+$0x0], $0xffff;
	_ =	sdelay $0x4  }
0xda: {  	[tilespmem:s17+$0x1C710] =	vst v1;
	v1 =	vld [tilespmem:s17+$0x1A730];
	_ =	sdelay $0x1  }
0xdb: {  	v0 =	vld.idx.msk [tilespmem:v0+s3+$0x0], $0xffff;
	_ =	sdelay $0x4  }
0xdc: {  	[tilespmem:s17+$0x1C720] =	vst v0;
	v0 =	vld [tilespmem:s17+$0x1A740]  }
0xdd: {  	v1 =	vld.idx.msk [tilespmem:v1+s3+$0x0], $0xffff;
	_ =	sdelay $0x4  }
0xde: {  	[tilespmem:s17+$0x1C730] =	vst v1;
	v1 =	vld [tilespmem:s17+$0x1A750];
	_ =	sdelay $0x1  }
0xdf: {  	v0 =	vld.idx.msk [tilespmem:v0+s3+$0x0], $0xffff;
	_ =	sdelay $0x4  }
0xe0: {  	v2 =	vld [tilespmem:s17+$0x1A760];
	[tilespmem:s17+$0x1C740] =	vst v0  }
0xe1: {  	v0 =	vld.idx.msk [tilespmem:v1+s3+$0x0], $0xffff;
	_ =	sdelay $0x4  }
0xe2: {  	[tilespmem:s17+$0x1C750] =	vst v0;
	v0 =	vld [tilespmem:s17+$0x1A770];
	_ =	sdelay $0x1  }
0xe3: {  	v1 =	vld.idx.msk [tilespmem:v2+s3+$0x0], $0xffff;
	_ =	sdelay $0x3  }
0xe4: {  	s18 =	simm.s32 $0x400;
	s19 =	simm.s32 $0x80  }
.LBB2_8:
0xe5: {  	p0 =	sne.s32 s18, $0x7E00;
	v2 =	vld [tilespmem:s19+$0x1A700];
	[tilespmem:s17+$0x1C760] =	vst v1  }
0xe6: {  	v0 =	vld.idx.msk [tilespmem:v0+s3+$0x0], $0xffff;
	_ =	sdelay $0x5  }
0xe7: {  	v1 =	vld [tilespmem:s19+$0x1A710];
	[tilespmem:s17+$0x1C770] =	vst v0;
	s17 =	smov.u32 s19  }
0xe8: {  	v0 =	vld.idx.msk [tilespmem:v2+s3+$0x0], $0xffff;
	_ =	sdelay $0x5  }
0xe9: {  	[tilespmem:s17+$0x1C700] =	vst v0;
	v0 =	vld [tilespmem:s17+$0x1A720]  }
0xea: {  	v1 =	vld.idx.msk [tilespmem:v1+s3+$0x0], $0xffff;
	_ =	sdelay $0x5  }
0xeb: {  	[tilespmem:s17+$0x1C710] =	vst v1;
	v1 =	vld [tilespmem:s17+$0x1A730]  }
0xec: {  	v0 =	vld.idx.msk [tilespmem:v0+s3+$0x0], $0xffff;
	_ =	sdelay $0x5  }
0xed: {  	[tilespmem:s17+$0x1C720] =	vst v0;
	v0 =	vld [tilespmem:s17+$0x1A740]  }
0xee: {  	v1 =	vld.idx.msk [tilespmem:v1+s3+$0x0], $0xffff;
	_ =	sdelay $0x5  }
0xef: {  	[tilespmem:s17+$0x1C730] =	vst v1;
	v1 =	vld [tilespmem:s17+$0x1A750]  }
0xf0: {  	v0 =	vld.idx.msk [tilespmem:v0+s3+$0x0], $0xffff;
	_ =	sdelay $0x5  }
0xf1: {  	[tilespmem:s17+$0x1C740] =	vst v0;
	v2 =	vld [tilespmem:s17+$0x1A760]  }
0xf2: {  	v0 =	vld.idx.msk [tilespmem:v1+s3+$0x0], $0xffff;
	_ =	sdelay $0x5  }
0xf3: {  	[tilespmem:s17+$0x1C750] =	vst v0;
	v0 =	vld [tilespmem:s17+$0x1A770]  }
0xf4: {  	v1 =	vld.idx.msk [tilespmem:v2+s3+$0x0], $0xffff  }
.Ltmp3:
0xf5: {  	(pc) =	sbr.rel @p0 .LBB2_8-.Ltmp3, $2  }
0xf6: {  	_ =	sdelay $0x2  }
0xf7: {  	s19 =	sshra.s32 s18, $0x2;
	s18 =	sadd.s32 $0x200, s18  }
0xf8: {  	_ =	sdelay $0x1  }
0xf9: {  	v2 =	vld [tilespmem:s19+$0x1A700]  }
0xfa: {  	[tilespmem:s17+$0x1C760] =	vst v1  }
0xfb: {  	v0 =	vld.idx.msk [tilespmem:v0+s3+$0x0], $0xffff;
	_ =	sdelay $0x3  }
0xfc: {  	v1 =	vld [tilespmem:s19+$0x1A710]  }
0xfd: {  	[tilespmem:s17+$0x1C770] =	vst v0  }
0xfe: {  	v0 =	vld.idx.msk [tilespmem:v2+s3+$0x0], $0xffff;
	_ =	sdelay $0x3  }
0xff: {  	v58 =	vld [tilespmem:s19+$0x1A720]  }
0x100: {  	[tilespmem:s19+$0x1C700] =	vst v0  }
0x101: {  	v1 =	vld.idx.msk [tilespmem:v1+s3+$0x0], $0xffff;
	_ =	sdelay $0x3  }
0x102: {  	v59 =	vld [tilespmem:s19+$0x1A730]  }
0x103: {  	[tilespmem:s19+$0x1C710] =	vst v1  }
0x104: {  	v0 =	vld.idx.msk [tilespmem:v58+s3+$0x0], $0xffff;
	_ =	sdelay $0x3  }
0x105: {  	v60 =	vld [tilespmem:s19+$0x1A740]  }
0x106: {  	[tilespmem:s19+$0x1C720] =	vst v0  }
0x107: {  	v1 =	vld.idx.msk [tilespmem:v59+s3+$0x0], $0xffff;
	_ =	sdelay $0x3  }
0x108: {  	v61 =	vld [tilespmem:s19+$0x1A750]  }
0x109: {  	[tilespmem:s19+$0x1C730] =	vst v1  }
0x10a: {  	v0 =	vld.idx.msk [tilespmem:v60+s3+$0x0], $0xffff;
	_ =	sdelay $0x3  }
0x10b: {  	v62 =	vld [tilespmem:s19+$0x1A760]  }
0x10c: {  	[tilespmem:s19+$0x1C740] =	vst v0  }
0x10d: {  	v1 =	vld.idx.msk [tilespmem:v61+s3+$0x0], $0xffff;
	_ =	sdelay $0x3  }
0x10e: {  	v63 =	vld [tilespmem:s19+$0x1A770]  }
0x10f: {  	[tilespmem:s19+$0x1C750] =	vst v1  }
0x110: {  	v0 =	vld.idx.msk [tilespmem:v62+s3+$0x0], $0xffff;
	_ =	sdelay $0x4  }
0x111: {  	[tilespmem:s19+$0x1C760] =	vst v0  }
0x112: {  	v0 =	vld.idx.msk [tilespmem:v63+s3+$0x0], $0xffff;
	_ =	sdelay $0x2  }
0x113: {  	s16 =	sadd.s32 $0x1, s16  }
0x114: {  	p0 =	sne.s32 s16, s10  }
.Ltmp4:
0x115: {  	[tilespmem:s19+$0x1C770] =	vst v0;
	(pc) =	sbr.rel @p0 .LBB2_1-.Ltmp4, $4  }
0x116: {  	[hbm4b:s9+s13] =	stream.strided.scatter [tilespmem:s15], [sflag:$0x1], $0x2000, s14, s13, $0x38;
	[tilespmem:$0x1E700] =	vst v63  }
0x117: {  	_ =	swait.ge [sflag:s12], $0x2000  }
0x118: {  	[sflag:s12] =	ssyncset.done $0x0  }
0x119: {  	[sflag:s12] =	ssyncadd.s32 $0xFFFFE000  }
0x11a: {  	_ =	sfence.sel $0x180000  }
0x11b: {  	[bflag:$0x0] =	sbarrier.arrive $0xFFFF  }
0x11c: {  	p0 =	sne.s32 s2, $0x0;
	_ =	strace $0x9000004A  }
0x11d: {  	s0 =	sadd.s32 @!p0 $0x100000, s0;
	[bflag:$0x2] =	sbarrier.arrive $0xFFFF  }
0x11e: {  	[sflag:s0] =	ssyncadd.tile.s32 @!p0 $0x1;
	_ =	shalt  }
.Lfunc_end2:
_tile_overlayer_lowered:
.L_overlay_start_2:
0x11f: {  	(tag) =	ssettag $0x2  }
0x120: {  	s0 =	rddreg [dreg:$0x0];
	s2 =	stileid.u32  }
0x121: {  	s1 =	rddreg [dreg:$0x1];
	p0 =	sne.s32 s2, $0x0  }
0x122: {  	s3 =	rddreg [dreg:$0x2];
	[bflag:$0x3] =	sbarrier.arrive $0xFFFF;
	s2 =	simm.s32 @!p0 $0x1C01  }
0x123: {  	[timem:s3], [sflag:s2] =	dma.local @!p0 [hbm:s0], s1  }
0x124: {  	s0 =	simm.s32 @!p0 $0x1  }
0x125: {  	_ =	swait.ge @!p0 [sflag:s0], s1  }
0x126: {  	s1 =	ssub.s32 @!p0 $0x0, s1;
	[sflag:s0] =	ssyncset.done @!p0 $0x0  }
0x127: {  	[sflag:s0] =	ssyncadd.s32 @!p0 s1  }
0x128: {  	[bflag:$0x3] =	sbarrier.arrive $0xFFFF  }
0x129: {  	_ =	shalt  }

</sc_bundles>
